<compile_context>
chip_gen: v7x
topology: tpu7x:2x2x1
jax: 0.10.2.dev20260603
libtpu: 0.0.44.dev20260713+nightly
codegen_flags: <defaults>
</compile_context>

<pallas_src>
import functools

import jax
import jax.numpy as jnp
from jax import lax
from jax.experimental import pallas as pl
from jax.experimental.pallas import tpu as pltpu
from jax.experimental.pallas import tpu_sc as plsc

N = 10000
E = 320000
D = 128

NC = 2
NS = 16
NW = NC * NS
EPW = E // NW
CHUNK = 80
NCHUNK = EPW // CHUNK
RPT = 624
REM = N - RPT * NS
NTRI = (NCHUNK - 2) // 3


def _sc_segment_sum(x, src2, dst1, zrows):
    mesh = plsc.VectorSubcoreMesh(core_axis_name="c", subcore_axis_name="s")

    @functools.partial(
        pl.kernel,
        mesh=mesh,
        out_type=jax.ShapeDtypeStruct((NC, N, D), jnp.float32),
        scratch_types=[
            pltpu.VMEM((EPW,), jnp.int32),
            pltpu.VMEM((24, CHUNK), jnp.int32),
            pltpu.VMEM((CHUNK, D), jnp.float32),
            pltpu.VMEM((CHUNK, D), jnp.float32),
            pltpu.VMEM((CHUNK, D), jnp.float32),
            pltpu.VMEM_SHARED((N, D), jnp.float32),
            pltpu.SemaphoreType.DMA,
            pltpu.SemaphoreType.DMA,
            pltpu.SemaphoreType.DMA,
        ],
    )
    def k(x_hbm, src_hbm, dst_hbm, z_hbm, out_hbm,
          src_v, sets_v, rows0, rows1, rows2, acc, sem_g, sem_s, sem_i):
        cid = lax.axis_index("c")
        sid = lax.axis_index("s")
        wid = sid * NC + cid
        rows = (rows0, rows1, rows2)
        base = wid * EPW

        def gidx(m):
            return src_v.at[pl.ds(m * CHUNK, CHUNK)]

        def didx(slot):
            return sets_v.at[8 * slot]

        def e_idx(m, slot):
            pltpu.async_copy(dst_hbm.at[pl.ds(base + m * CHUNK, CHUNK)],
                             didx(slot), sem_i)

        def w_idx(m, slot):
            pltpu.make_async_copy(dst_hbm.at[pl.ds(base + m * CHUNK, CHUNK)],
                                  didx(slot), sem_i).wait()

        def e_gat(m, slot):
            pltpu.async_copy(x_hbm.at[gidx(m)], rows[slot], sem_g)

        def w_gat(m, slot):
            pltpu.make_async_copy(x_hbm.at[gidx(m)], rows[slot], sem_g).wait()

        def e_sca(m, slot):
            pltpu.async_copy(rows[slot], acc.at[didx(slot)], sem_s, add=True)

        def w_sca(m, slot):
            pltpu.make_async_copy(rows[slot], acc.at[didx(slot)], sem_s).wait()

        pltpu.sync_copy(src_hbm.at[wid], src_v)
        e_idx(0, 0)
        e_idx(1, 1)
        e_gat(0, 0)
        e_gat(1, 1)
        pltpu.sync_copy(z_hbm, acc.at[pl.ds(sid * RPT, RPT)])

        @pl.when(sid == NS - 1)
        def _zero_rem():
            pltpu.sync_copy(z_hbm.at[pl.ds(0, REM)], acc.at[pl.ds(RPT * NS, REM)])
        plsc.subcore_barrier()

        def stage(m, slot, first):
            w_gat(m, slot)
            w_idx(m, slot)
            e_sca(m, slot)
            prev_slot = (slot + 2) % 3
            if not first:
                w_sca(m - 1, prev_slot)

            @pl.when(m + 2 < NCHUNK)
            def _prefetch():
                e_idx(m + 2, prev_slot)
                e_gat(m + 2, prev_slot)

        stage(0, 0, True)

        def body(i, carry):
            m = 3 * i
            stage(m + 1, 1, False)
            stage(m + 2, 2, False)
            stage(m + 3, 0, False)
            return carry

        lax.fori_loop(0, NTRI, body, 0)
        m0 = 3 * NTRI + 1
        w_gat(m0, 1)
        w_idx(m0, 1)
        e_sca(m0, 1)
        w_sca(m0 - 1, 0)
        w_sca(m0, 1)
        plsc.subcore_barrier()
        pltpu.sync_copy(acc.at[pl.ds(sid * RPT, RPT)],
                        out_hbm.at[cid, pl.ds(sid * RPT, RPT)])

        @pl.when(sid == NS - 1)
        def _write_rem():
            pltpu.sync_copy(acc.at[pl.ds(RPT * NS, REM)],
                            out_hbm.at[cid, pl.ds(RPT * NS, REM)])

    return k(x, src2, dst1, zrows)


_BLK = 2000


def _mlp1(x, p, scale, WaT, ba, WbT, bb):
    def body(x_r, p0_r, p1_r, s_r, wa_r, ba_r, wb_r, bb_r, o_r):
        h = x_r[...] * s_r[0, 0] + p0_r[0] + p1_r[0]
        h = jnp.maximum(
            jnp.dot(h, wa_r[...], preferred_element_type=jnp.float32) + ba_r[...], 0.0)
        h = jnp.maximum(
            jnp.dot(h, wb_r[...], preferred_element_type=jnp.float32) + bb_r[...], 0.0)
        o_r[...] = h

    row = pl.BlockSpec((_BLK, D), lambda i: (i, 0))
    par0 = pl.BlockSpec((1, _BLK, D), lambda i: (0, i, 0))
    par1 = pl.BlockSpec((1, _BLK, D), lambda i: (1, i, 0))
    full = pl.BlockSpec((D, D), lambda i: (0, 0))
    bias = pl.BlockSpec((1, D), lambda i: (0, 0))
    return pl.pallas_call(
        body,
        grid=(N // _BLK,),
        in_specs=[row, par0, par1, pl.BlockSpec((1, 1), lambda i: (0, 0)),
                  full, bias, full, bias],
        out_specs=row,
        out_shape=jax.ShapeDtypeStruct((N, D), jnp.float32),
    )(x, p, p, scale, WaT, ba, WbT, bb)


def _mlp2(h, q, WaT, ba, WlT, bl):
    def body(h_r, q0_r, q1_r, wa_r, ba_r, wl_r, bl_r, o_r):
        h2 = h_r[...] + q0_r[0] + q1_r[0]
        h2 = jnp.maximum(
            jnp.dot(h2, wa_r[...], preferred_element_type=jnp.float32) + ba_r[...], 0.0)
        o_r[...] = jnp.dot(h2, wl_r[...], preferred_element_type=jnp.float32) + bl_r[...]

    row = pl.BlockSpec((_BLK, D), lambda i: (i, 0))
    par0 = pl.BlockSpec((1, _BLK, D), lambda i: (0, i, 0))
    par1 = pl.BlockSpec((1, _BLK, D), lambda i: (1, i, 0))
    full = pl.BlockSpec((D, D), lambda i: (0, 0))
    bias = pl.BlockSpec((1, D), lambda i: (0, 0))
    return pl.pallas_call(
        body,
        grid=(N // _BLK,),
        in_specs=[row, par0, par1, full, bias, full, bias],
        out_specs=row,
        out_shape=jax.ShapeDtypeStruct((N, D), jnp.float32),
    )(h, q, q, WaT, ba, WlT, bl)


def kernel(x, edge_index, eps1, W1a, b1a, W1b, b1b, W2a, b2a, Wl, bl):
    src2 = edge_index[0].reshape(NW, EPW)
    dst1 = edge_index[1]
    zrows = jnp.zeros((RPT, D), jnp.float32)
    scale = jnp.reshape(1.0 + eps1, (1, 1))
    p = _sc_segment_sum(x, src2, dst1, zrows)
    h = _mlp1(x, p, scale, W1a.T, b1a.reshape(1, D), W1b.T, b1b.reshape(1, D))
    q = _sc_segment_sum(h, src2, dst1, zrows)
    return _mlp2(h, q, W2a.T, b2a.reshape(1, D), Wl.T, bl.reshape(1, D))

# --- scband reference (transcript-rebuilt; emitter-appended) ---
"""Pipeline reference for scband-gin-27212912788333 (READ-ONLY COPY).

The authoritative reference and input builder live on the scoring server;
editing this copy changes nothing except your own understanding.
"""

import jax, jax.numpy as jnp
import numpy as np

N = 10000
E = 320000
D = 128
H = 128
O = 128


def setup_inputs(seed: int = 0) -> dict:
    key = jax.random.key(seed)
    ks = jax.random.split(key, 12)
    x = jax.random.normal(ks[0], (N, D), dtype=jnp.float32)
    edge_index = jax.random.randint(ks[1], (2, E), 0, N, dtype=jnp.int32)
    s = 1.0 / np.sqrt(D)
    W1a = jax.random.uniform(ks[2], (H, D), jnp.float32, -s, s)
    b1a = jax.random.uniform(ks[3], (H,), jnp.float32, -s, s)
    sh = 1.0 / np.sqrt(H)
    W1b = jax.random.uniform(ks[4], (H, H), jnp.float32, -sh, sh)
    b1b = jax.random.uniform(ks[5], (H,), jnp.float32, -sh, sh)
    W2a = jax.random.uniform(ks[6], (H, H), jnp.float32, -sh, sh)
    b2a = jax.random.uniform(ks[7], (H,), jnp.float32, -sh, sh)
    Wl = jax.random.uniform(ks[8], (O, H), jnp.float32, -sh, sh)
    bl = jax.random.uniform(ks[9], (O,), jnp.float32, -sh, sh)
    eps1 = jnp.zeros((), dtype=jnp.float32)  # train_eps=True, initialized to 0
    return {"x": x, "edge_index": edge_index, "eps1": eps1,
            "W1a": W1a, "b1a": b1a, "W1b": W1b, "b1b": b1b,
            "W2a": W2a, "b2a": b2a, "Wl": Wl, "bl": bl}


def reference(x, edge_index, eps1, W1a, b1a, W1b, b1b, W2a, b2a, Wl, bl):
    src = edge_index[0]
    dst = edge_index[1]
    # conv1: GINConv(train_eps=True): mlp((1+eps)*x + sum_{j in N(i)} x_j)
    agg1 = jax.ops.segment_sum(x[src], dst, num_segments=N)
    h = (1.0 + eps1) * x + agg1
    h = jnp.maximum(jnp.dot(h, W1a.T) + b1a, 0.0)
    h = jnp.maximum(jnp.dot(h, W1b.T) + b1b, 0.0)
    h = jnp.maximum(h, 0.0)  # .relu() after conv1
    # conv2: GINConv(train_eps=False): eps fixed at 0
    agg2 = jax.ops.segment_sum(h[src], dst, num_segments=N)
    h2 = h + agg2
    h2 = jnp.maximum(jnp.dot(h2, W2a.T) + b2a, 0.0)
    h2 = jnp.maximum(h2, 0.0)  # .relu() after conv2
    out = jnp.dot(h2, Wl.T) + bl
    return out

if __name__ == "__main__":
    import jax
    _d = setup_inputs()
    print(jax.jit(kernel)(*tuple(_d.values())))

</pallas_src>

<mosaic_0001>
#map = affine_map<(d0, d1) -> (0, 0)>
#map1 = affine_map<(d0, d1) -> (0)>
#map2 = affine_map<(d0, d1) -> (0, 0, 0)>
module attributes {stable_mosaic.version = 14 : i64} {
  func.func @k(%arg0: i32, %arg1: i32, %arg2: memref<10000x128xf32, #tpu.memory_space<hbm>>, %arg3: memref<32x10000xi32, #tpu.memory_space<hbm>>, %arg4: memref<320000xi32, #tpu.memory_space<hbm>>, %arg5: memref<624x128xf32, #tpu.memory_space<hbm>>, %arg6: memref<2x10000x128xf32, #tpu.memory_space<hbm>>, %arg7: memref<10000xi32, #tpu.memory_space<vmem>>, %arg8: memref<24x80xi32, #tpu.memory_space<vmem>>, %arg9: memref<80x128xf32, #tpu.memory_space<vmem>>, %arg10: memref<80x128xf32, #tpu.memory_space<vmem>>, %arg11: memref<80x128xf32, #tpu.memory_space<vmem>>, %arg12: memref<10000x128xf32, #tpu.memory_space<vmem_shared>>, %arg13: memref<!tpu.dma_semaphore, #tpu.memory_space<semaphore_mem>>, %arg14: memref<!tpu.dma_semaphore, #tpu.memory_space<semaphore_mem>>, %arg15: memref<!tpu.dma_semaphore, #tpu.memory_space<semaphore_mem>>) attributes {dimension_semantics = [#tpu.dimension_semantics<core_parallel>, #tpu.dimension_semantics<subcore_parallel>], iteration_bounds = array<i64: 2, 16>, scalar_prefetch = 0 : i64, scratch_operands = 9 : i64, tpu.core_type = #tpu.core_type<sc_vector_subcore>, window_params = [{transform_indices = #map}, {transform_indices = #map}, {transform_indices = #map1}, {transform_indices = #map}, {transform_indices = #map2}]} {
    %mul3A = arith.constant 2 : i32
    %mul3A_0 = arith.muli %arg1, %mul3A : i32
    %add3A = arith.addi %mul3A_0, %arg0 : i32
    %mul3A_1 = arith.constant 10000 : i32
    %mul3A_2 = arith.muli %add3A, %mul3A_1 : i32
    "tpu.region"() ({
      %run_scoped3A = tpu.sem_alloc : memref<!tpu.dma_semaphore, #tpu.memory_space<semaphore_mem>>
      %dma_start3A_128 = arith.constant 0 : i32
      %dma_start3A_129 = tpu.memref_slice %arg3[%add3A, %dma_start3A_128] : memref<32x10000xi32, #tpu.memory_space<hbm>> -> memref<1x10000xi32, #tpu.memory_space<hbm>>
      %dma_start3A_130 = tpu.memref_squeeze %dma_start3A_129 : memref<1x10000xi32, #tpu.memory_space<hbm>> -> memref<10000xi32, #tpu.memory_space<hbm>>
      %dma_start3A_131 = arith.constant 0 : i32
      %dma_start3A_132 = tpu.memref_slice %arg3[%add3A, %dma_start3A_131] : memref<32x10000xi32, #tpu.memory_space<hbm>> -> memref<1x10000xi32, #tpu.memory_space<hbm>>
      %dma_start3A_133 = tpu.memref_squeeze %dma_start3A_132 : memref<1x10000xi32, #tpu.memory_space<hbm>> -> memref<10000xi32, #tpu.memory_space<hbm>>
      tpu.enqueue_dma source(%dma_start3A_133 : memref<10000xi32, #tpu.memory_space<hbm>>) target(%arg7 : memref<10000xi32, #tpu.memory_space<vmem>>) target_semaphore(%run_scoped3A : memref<!tpu.dma_semaphore, #tpu.memory_space<semaphore_mem>>)
      %dma_wait3A_134 = arith.constant 0 : i32
      %dma_wait3A_135 = tpu.memref_slice %arg3[%add3A, %dma_wait3A_134] : memref<32x10000xi32, #tpu.memory_space<hbm>> -> memref<1x10000xi32, #tpu.memory_space<hbm>>
      %dma_wait3A_136 = tpu.memref_squeeze %dma_wait3A_135 : memref<1x10000xi32, #tpu.memory_space<hbm>> -> memref<10000xi32, #tpu.memory_space<hbm>>
      %dma_wait3A_137 = arith.constant 0 : i32
      %dma_wait3A_138 = tpu.memref_slice %arg3[%add3A, %dma_wait3A_137] : memref<32x10000xi32, #tpu.memory_space<hbm>> -> memref<1x10000xi32, #tpu.memory_space<hbm>>
      %dma_wait3A_139 = tpu.memref_squeeze %dma_wait3A_138 : memref<1x10000xi32, #tpu.memory_space<hbm>> -> memref<10000xi32, #tpu.memory_space<hbm>>
      tpu.wait_dma2 semaphore(%run_scoped3A : memref<!tpu.dma_semaphore, #tpu.memory_space<semaphore_mem>>) src(%dma_wait3A_139 : memref<10000xi32, #tpu.memory_space<hbm>>) dst(%arg7 : memref<10000xi32, #tpu.memory_space<vmem>>)
      tpu.yield
    }) : () -> ()
    %add3A_3 = arith.constant 0 : i32
    %add3A_4 = arith.addi %mul3A_2, %add3A_3 : i32
    %dma_start3A = arith.constant 0 : i32
    %dma_start3A_5 = arith.constant 0 : i32
    %dma_start3A_6 = tpu.memref_slice %arg8[%dma_start3A, %dma_start3A_5] : memref<24x80xi32, #tpu.memory_space<vmem>> -> memref<1x80xi32, #tpu.memory_space<vmem>>
    %dma_start3A_7 = tpu.memref_squeeze %dma_start3A_6 : memref<1x80xi32, #tpu.memory_space<vmem>> -> memref<80xi32, #tpu.memory_space<vmem>>
    %dma_start3A_8 = tpu.memref_slice %arg4[%add3A_4] : memref<320000xi32, #tpu.memory_space<hbm>> -> memref<80xi32, #tpu.memory_space<hbm>>
    %dma_start3A_9 = arith.constant 0 : i32
    %dma_start3A_10 = tpu.memref_slice %arg8[%dma_start3A, %dma_start3A_9] : memref<24x80xi32, #tpu.memory_space<vmem>> -> memref<1x80xi32, #tpu.memory_space<vmem>>
    %dma_start3A_11 = tpu.memref_squeeze %dma_start3A_10 : memref<1x80xi32, #tpu.memory_space<vmem>> -> memref<80xi32, #tpu.memory_space<vmem>>
    %dma_start3A_12 = tpu.memref_slice %arg4[%add3A_4] : memref<320000xi32, #tpu.memory_space<hbm>> -> memref<80xi32, #tpu.memory_space<hbm>>
    tpu.enqueue_dma source(%dma_start3A_12 : memref<80xi32, #tpu.memory_space<hbm>>) target(%dma_start3A_11 : memref<80xi32, #tpu.memory_space<vmem>>) target_semaphore(%arg15 : memref<!tpu.dma_semaphore, #tpu.memory_space<semaphore_mem>>)
    %add3A_13 = arith.constant 80 : i32
    %add3A_14 = arith.addi %mul3A_2, %add3A_13 : i32
    %dma_start3A_15 = arith.constant 8 : i32
    %dma_start3A_16 = arith.constant 0 : i32
    %dma_start3A_17 = tpu.memref_slice %arg8[%dma_start3A_15, %dma_start3A_16] : memref<24x80xi32, #tpu.memory_space<vmem>> -> memref<1x80xi32, #tpu.memory_space<vmem>>
    %dma_start3A_18 = tpu.memref_squeeze %dma_start3A_17 : memref<1x80xi32, #tpu.memory_space<vmem>> -> memref<80xi32, #tpu.memory_space<vmem>>
    %dma_start3A_19 = tpu.memref_slice %arg4[%add3A_14] : memref<320000xi32, #tpu.memory_space<hbm>> -> memref<80xi32, #tpu.memory_space<hbm>>
    %dma_start3A_20 = arith.constant 0 : i32
    %dma_start3A_21 = tpu.memref_slice %arg8[%dma_start3A_15, %dma_start3A_20] : memref<24x80xi32, #tpu.memory_space<vmem>> -> memref<1x80xi32, #tpu.memory_space<vmem>>
    %dma_start3A_22 = tpu.memref_squeeze %dma_start3A_21 : memref<1x80xi32, #tpu.memory_space<vmem>> -> memref<80xi32, #tpu.memory_space<vmem>>
    %dma_start3A_23 = tpu.memref_slice %arg4[%add3A_14] : memref<320000xi32, #tpu.memory_space<hbm>> -> memref<80xi32, #tpu.memory_space<hbm>>
    tpu.enqueue_dma source(%dma_start3A_23 : memref<80xi32, #tpu.memory_space<hbm>>) target(%dma_start3A_22 : memref<80xi32, #tpu.memory_space<vmem>>) target_semaphore(%arg15 : memref<!tpu.dma_semaphore, #tpu.memory_space<semaphore_mem>>)
    %dma_start3A_24 = arith.constant 0 : i32
    %dma_start3A_25 = tpu.memref_slice %arg7[%dma_start3A_24] : memref<10000xi32, #tpu.memory_space<vmem>> -> memref<80xi32, #tpu.memory_space<vmem>>
    %dma_start3A_26 = arith.constant 0 : i32
    %dma_start3A_27 = arith.constant 0 : i32
    %dma_start3A_28 = tpu.memref_slice %arg2[%dma_start3A_26, %dma_start3A_27] : memref<10000x128xf32, #tpu.memory_space<hbm>> -> memref<10000x128xf32, #tpu.memory_space<hbm>>
    tpu.enqueue_indirect_dma source(%dma_start3A_28 : memref<10000x128xf32, #tpu.memory_space<hbm>>) target(%arg9 : memref<80x128xf32, #tpu.memory_space<vmem>>) offsets(%dma_start3A_25 : memref<80xi32, #tpu.memory_space<vmem>>) semaphore(%arg13 : memref<!tpu.dma_semaphore, #tpu.memory_space<semaphore_mem>>)
    %dma_start3A_29 = arith.constant 80 : i32
    %dma_start3A_30 = tpu.memref_slice %arg7[%dma_start3A_29] : memref<10000xi32, #tpu.memory_space<vmem>> -> memref<80xi32, #tpu.memory_space<vmem>>
    %dma_start3A_31 = arith.constant 0 : i32
    %dma_start3A_32 = arith.constant 0 : i32
    %dma_start3A_33 = tpu.memref_slice %arg2[%dma_start3A_31, %dma_start3A_32] : memref<10000x128xf32, #tpu.memory_space<hbm>> -> memref<10000x128xf32, #tpu.memory_space<hbm>>
    tpu.enqueue_indirect_dma source(%dma_start3A_33 : memref<10000x128xf32, #tpu.memory_space<hbm>>) target(%arg10 : memref<80x128xf32, #tpu.memory_space<vmem>>) offsets(%dma_start3A_30 : memref<80xi32, #tpu.memory_space<vmem>>) semaphore(%arg13 : memref<!tpu.dma_semaphore, #tpu.memory_space<semaphore_mem>>)
    %mul3A_34 = arith.constant 624 : i32
    %mul3A_35 = arith.muli %arg1, %mul3A_34 : i32
    "tpu.region"() ({
      %run_scoped3A = tpu.sem_alloc : memref<!tpu.dma_semaphore, #tpu.memory_space<semaphore_mem>>
      %dma_start3A_128 = arith.constant 0 : i32
      %dma_start3A_129 = tpu.memref_slice %arg12[%mul3A_35, %dma_start3A_128] : memref<10000x128xf32, #tpu.memory_space<vmem_shared>> -> memref<624x128xf32, #tpu.memory_space<vmem_shared>>
      tpu.enqueue_dma source(%arg5 : memref<624x128xf32, #tpu.memory_space<hbm>>) target(%dma_start3A_129 : memref<624x128xf32, #tpu.memory_space<vmem_shared>>) target_semaphore(%run_scoped3A : memref<!tpu.dma_semaphore, #tpu.memory_space<semaphore_mem>>)
      %dma_wait3A_130 = arith.constant 0 : i32
      %dma_wait3A_131 = tpu.memref_slice %arg12[%mul3A_35, %dma_wait3A_130] : memref<10000x128xf32, #tpu.memory_space<vmem_shared>> -> memref<624x128xf32, #tpu.memory_space<vmem_shared>>
      tpu.wait_dma2 semaphore(%run_scoped3A : memref<!tpu.dma_semaphore, #tpu.memory_space<semaphore_mem>>) src(%arg5 : memref<624x128xf32, #tpu.memory_space<hbm>>) dst(%dma_wait3A_131 : memref<624x128xf32, #tpu.memory_space<vmem_shared>>)
      tpu.yield
    }) : () -> ()
    %eq3A = arith.constant 15 : i32
    %eq3A_36 = arith.cmpi eq, %arg1, %eq3A : i32
    %convert_element_type3A = arith.extui %eq3A_36 : i1 to i32
    %cond3A = arith.constant 0 : i32
    %cond3A_37 = arith.cmpi ne, %convert_element_type3A, %cond3A : i32
    scf.if %cond3A_37 {
      "tpu.region"() ({
        %run_scoped3A = tpu.sem_alloc : memref<!tpu.dma_semaphore, #tpu.memory_space<semaphore_mem>>
        %dma_start3A_128 = arith.constant 9984 : i32
        %dma_start3A_129 = arith.constant 0 : i32
        %dma_start3A_130 = tpu.memref_slice %arg12[%dma_start3A_128, %dma_start3A_129] : memref<10000x128xf32, #tpu.memory_space<vmem_shared>> -> memref<16x128xf32, #tpu.memory_space<vmem_shared>>
        %dma_start3A_131 = arith.constant 0 : i32
        %dma_start3A_132 = arith.constant 0 : i32
        %dma_start3A_133 = tpu.memref_slice %arg5[%dma_start3A_131, %dma_start3A_132] : memref<624x128xf32, #tpu.memory_space<hbm>> -> memref<16x128xf32, #tpu.memory_space<hbm>>
        tpu.enqueue_dma source(%dma_start3A_133 : memref<16x128xf32, #tpu.memory_space<hbm>>) target(%dma_start3A_130 : memref<16x128xf32, #tpu.memory_space<vmem_shared>>) target_semaphore(%run_scoped3A : memref<!tpu.dma_semaphore, #tpu.memory_space<semaphore_mem>>)
        %dma_wait3A_134 = arith.constant 9984 : i32
        %dma_wait3A_135 = arith.constant 0 : i32
        %dma_wait3A_136 = tpu.memref_slice %arg12[%dma_wait3A_134, %dma_wait3A_135] : memref<10000x128xf32, #tpu.memory_space<vmem_shared>> -> memref<16x128xf32, #tpu.memory_space<vmem_shared>>
        %dma_wait3A_137 = arith.constant 0 : i32
        %dma_wait3A_138 = arith.constant 0 : i32
        %dma_wait3A_139 = tpu.memref_slice %arg5[%dma_wait3A_137, %dma_wait3A_138] : memref<624x128xf32, #tpu.memory_space<hbm>> -> memref<16x128xf32, #tpu.memory_space<hbm>>
        tpu.wait_dma2 semaphore(%run_scoped3A : memref<!tpu.dma_semaphore, #tpu.memory_space<semaphore_mem>>) src(%dma_wait3A_139 : memref<16x128xf32, #tpu.memory_space<hbm>>) dst(%dma_wait3A_136 : memref<16x128xf32, #tpu.memory_space<vmem_shared>>)
        tpu.yield
      }) : () -> ()
    } else {
    }
    %barrier3A = arith.constant 0 : index
    tpu.barrier barrier_id(%barrier3A)
    %dma_wait3A = arith.constant 0 : i32
    %dma_wait3A_38 = tpu.memref_slice %arg7[%dma_wait3A] : memref<10000xi32, #tpu.memory_space<vmem>> -> memref<80xi32, #tpu.memory_space<vmem>>
    %dma_wait3A_39 = arith.constant 0 : i32
    %dma_wait3A_40 = arith.constant 0 : i32
    %dma_wait3A_41 = tpu.memref_slice %arg2[%dma_wait3A_39, %dma_wait3A_40] : memref<10000x128xf32, #tpu.memory_space<hbm>> -> memref<10000x128xf32, #tpu.memory_space<hbm>>
    tpu.wait_indirect_dma semaphore(%arg13 : memref<!tpu.dma_semaphore, #tpu.memory_space<semaphore_mem>>) src(%dma_wait3A_41 : memref<10000x128xf32, #tpu.memory_space<hbm>>) dst(%arg9 : memref<80x128xf32, #tpu.memory_space<vmem>>)
    %add3A_42 = arith.constant 0 : i32
    %add3A_43 = arith.addi %mul3A_2, %add3A_42 : i32
    %dma_wait3A_44 = arith.constant 0 : i32
    %dma_wait3A_45 = arith.constant 0 : i32
    %dma_wait3A_46 = tpu.memref_slice %arg8[%dma_wait3A_44, %dma_wait3A_45] : memref<24x80xi32, #tpu.memory_space<vmem>> -> memref<1x80xi32, #tpu.memory_space<vmem>>
    %dma_wait3A_47 = tpu.memref_squeeze %dma_wait3A_46 : memref<1x80xi32, #tpu.memory_space<vmem>> -> memref<80xi32, #tpu.memory_space<vmem>>
    %dma_wait3A_48 = tpu.memref_slice %arg4[%add3A_43] : memref<320000xi32, #tpu.memory_space<hbm>> -> memref<80xi32, #tpu.memory_space<hbm>>
    %dma_wait3A_49 = arith.constant 0 : i32
    %dma_wait3A_50 = tpu.memref_slice %arg8[%dma_wait3A_44, %dma_wait3A_49] : memref<24x80xi32, #tpu.memory_space<vmem>> -> memref<1x80xi32, #tpu.memory_space<vmem>>
    %dma_wait3A_51 = tpu.memref_squeeze %dma_wait3A_50 : memref<1x80xi32, #tpu.memory_space<vmem>> -> memref<80xi32, #tpu.memory_space<vmem>>
    %dma_wait3A_52 = tpu.memref_slice %arg4[%add3A_43] : memref<320000xi32, #tpu.memory_space<hbm>> -> memref<80xi32, #tpu.memory_space<hbm>>
    tpu.wait_dma2 semaphore(%arg15 : memref<!tpu.dma_semaphore, #tpu.memory_space<semaphore_mem>>) src(%dma_wait3A_52 : memref<80xi32, #tpu.memory_space<hbm>>) dst(%dma_wait3A_51 : memref<80xi32, #tpu.memory_space<vmem>>)
    %dma_start3A_53 = arith.constant 0 : i32
    %dma_start3A_54 = arith.constant 0 : i32
    %dma_start3A_55 = tpu.memref_slice %arg8[%dma_start3A_53, %dma_start3A_54] : memref<24x80xi32, #tpu.memory_space<vmem>> -> memref<1x80xi32, #tpu.memory_space<vmem>>
    %dma_start3A_56 = tpu.memref_squeeze %dma_start3A_55 : memref<1x80xi32, #tpu.memory_space<vmem>> -> memref<80xi32, #tpu.memory_space<vmem>>
    %dma_start3A_57 = arith.constant 0 : i32
    %dma_start3A_58 = arith.constant 0 : i32
    %dma_start3A_59 = tpu.memref_slice %arg12[%dma_start3A_57, %dma_start3A_58] : memref<10000x128xf32, #tpu.memory_space<vmem_shared>> -> memref<10000x128xf32, #tpu.memory_space<vmem_shared>>
    tpu.enqueue_indirect_dma source(%arg9 : memref<80x128xf32, #tpu.memory_space<vmem>>) target(%dma_start3A_59 : memref<10000x128xf32, #tpu.memory_space<vmem_shared>>) offsets(%dma_start3A_56 : memref<80xi32, #tpu.memory_space<vmem>>) semaphore(%arg14 : memref<!tpu.dma_semaphore, #tpu.memory_space<semaphore_mem>>) {add = true}
    %add3A_60 = arith.constant 160 : i32
    %add3A_61 = arith.addi %mul3A_2, %add3A_60 : i32
    %dma_start3A_62 = arith.constant 16 : i32
    %dma_start3A_63 = arith.constant 0 : i32
    %dma_start3A_64 = tpu.memref_slice %arg8[%dma_start3A_62, %dma_start3A_63] : memref<24x80xi32, #tpu.memory_space<vmem>> -> memref<1x80xi32, #tpu.memory_space<vmem>>
    %dma_start3A_65 = tpu.memref_squeeze %dma_start3A_64 : memref<1x80xi32, #tpu.memory_space<vmem>> -> memref<80xi32, #tpu.memory_space<vmem>>
    %dma_start3A_66 = tpu.memref_slice %arg4[%add3A_61] : memref<320000xi32, #tpu.memory_space<hbm>> -> memref<80xi32, #tpu.memory_space<hbm>>
    %dma_start3A_67 = arith.constant 0 : i32
    %dma_start3A_68 = tpu.memref_slice %arg8[%dma_start3A_62, %dma_start3A_67] : memref<24x80xi32, #tpu.memory_space<vmem>> -> memref<1x80xi32, #tpu.memory_space<vmem>>
    %dma_start3A_69 = tpu.memref_squeeze %dma_start3A_68 : memref<1x80xi32, #tpu.memory_space<vmem>> -> memref<80xi32, #tpu.memory_space<vmem>>
    %dma_start3A_70 = tpu.memref_slice %arg4[%add3A_61] : memref<320000xi32, #tpu.memory_space<hbm>> -> memref<80xi32, #tpu.memory_space<hbm>>
    tpu.enqueue_dma source(%dma_start3A_70 : memref<80xi32, #tpu.memory_space<hbm>>) target(%dma_start3A_69 : memref<80xi32, #tpu.memory_space<vmem>>) target_semaphore(%arg15 : memref<!tpu.dma_semaphore, #tpu.memory_space<semaphore_mem>>)
    %dma_start3A_71 = arith.constant 160 : i32
    %dma_start3A_72 = tpu.memref_slice %arg7[%dma_start3A_71] : memref<10000xi32, #tpu.memory_space<vmem>> -> memref<80xi32, #tpu.memory_space<vmem>>
    %dma_start3A_73 = arith.constant 0 : i32
    %dma_start3A_74 = arith.constant 0 : i32
    %dma_start3A_75 = tpu.memref_slice %arg2[%dma_start3A_73, %dma_start3A_74] : memref<10000x128xf32, #tpu.memory_space<hbm>> -> memref<10000x128xf32, #tpu.memory_space<hbm>>
    tpu.enqueue_indirect_dma source(%dma_start3A_75 : memref<10000x128xf32, #tpu.memory_space<hbm>>) target(%arg11 : memref<80x128xf32, #tpu.memory_space<vmem>>) offsets(%dma_start3A_72 : memref<80xi32, #tpu.memory_space<vmem>>) semaphore(%arg13 : memref<!tpu.dma_semaphore, #tpu.memory_space<semaphore_mem>>)
    %scan3A = arith.constant 0 : i32
    %scan3A_76 = arith.constant 0 : i32
    %scan3A_77 = arith.constant 41 : i32
    %scan3A_78 = arith.addi %scan3A_76, %scan3A_77 : i32
    %scan3A_79 = arith.constant 1 : i32
    scf.for %scan3A_128 = %scan3A_76 to %scan3A_78 step %scan3A_79  : i32 {
      %mul3A_129 = arith.constant 3 : i32
      %mul3A_130 = arith.muli %mul3A_129, %scan3A_128 : i32
      %add3A_131 = arith.constant 1 : i32
      %add3A_132 = arith.addi %mul3A_130, %add3A_131 : i32
      %mul3A_133 = arith.constant 80 : i32
      %mul3A_134 = arith.muli %add3A_132, %mul3A_133 : i32
      %dma_wait3A_135 = tpu.memref_slice %arg7[%mul3A_134] : memref<10000xi32, #tpu.memory_space<vmem>> -> memref<80xi32, #tpu.memory_space<vmem>>
      %dma_wait3A_136 = arith.constant 0 : i32
      %dma_wait3A_137 = arith.constant 0 : i32
      %dma_wait3A_138 = tpu.memref_slice %arg2[%dma_wait3A_136, %dma_wait3A_137] : memref<10000x128xf32, #tpu.memory_space<hbm>> -> memref<10000x128xf32, #tpu.memory_space<hbm>>
      tpu.wait_indirect_dma semaphore(%arg13 : memref<!tpu.dma_semaphore, #tpu.memory_space<semaphore_mem>>) src(%dma_wait3A_138 : memref<10000x128xf32, #tpu.memory_space<hbm>>) dst(%arg10 : memref<80x128xf32, #tpu.memory_space<vmem>>)
      %mul3A_139 = arith.constant 80 : i32
      %mul3A_140 = arith.muli %add3A_132, %mul3A_139 : i32
      %add3A_141 = arith.addi %mul3A_2, %mul3A_140 : i32
      %dma_wait3A_142 = arith.constant 8 : i32
      %dma_wait3A_143 = arith.constant 0 : i32
      %dma_wait3A_144 = tpu.memref_slice %arg8[%dma_wait3A_142, %dma_wait3A_143] : memref<24x80xi32, #tpu.memory_space<vmem>> -> memref<1x80xi32, #tpu.memory_space<vmem>>
      %dma_wait3A_145 = tpu.memref_squeeze %dma_wait3A_144 : memref<1x80xi32, #tpu.memory_space<vmem>> -> memref<80xi32, #tpu.memory_space<vmem>>
      %dma_wait3A_146 = tpu.memref_slice %arg4[%add3A_141] : memref<320000xi32, #tpu.memory_space<hbm>> -> memref<80xi32, #tpu.memory_space<hbm>>
      %dma_wait3A_147 = arith.constant 0 : i32
      %dma_wait3A_148 = tpu.memref_slice %arg8[%dma_wait3A_142, %dma_wait3A_147] : memref<24x80xi32, #tpu.memory_space<vmem>> -> memref<1x80xi32, #tpu.memory_space<vmem>>
      %dma_wait3A_149 = tpu.memref_squeeze %dma_wait3A_148 : memref<1x80xi32, #tpu.memory_space<vmem>> -> memref<80xi32, #tpu.memory_space<vmem>>
      %dma_wait3A_150 = tpu.memref_slice %arg4[%add3A_141] : memref<320000xi32, #tpu.memory_space<hbm>> -> memref<80xi32, #tpu.memory_space<hbm>>
      tpu.wait_dma2 semaphore(%arg15 : memref<!tpu.dma_semaphore, #tpu.memory_space<semaphore_mem>>) src(%dma_wait3A_150 : memref<80xi32, #tpu.memory_space<hbm>>) dst(%dma_wait3A_149 : memref<80xi32, #tpu.memory_space<vmem>>)
      %dma_start3A_151 = arith.constant 8 : i32
      %dma_start3A_152 = arith.constant 0 : i32
      %dma_start3A_153 = tpu.memref_slice %arg8[%dma_start3A_151, %dma_start3A_152] : memref<24x80xi32, #tpu.memory_space<vmem>> -> memref<1x80xi32, #tpu.memory_space<vmem>>
      %dma_start3A_154 = tpu.memref_squeeze %dma_start3A_153 : memref<1x80xi32, #tpu.memory_space<vmem>> -> memref<80xi32, #tpu.memory_space<vmem>>
      %dma_start3A_155 = arith.constant 0 : i32
      %dma_start3A_156 = arith.constant 0 : i32
      %dma_start3A_157 = tpu.memref_slice %arg12[%dma_start3A_155, %dma_start3A_156] : memref<10000x128xf32, #tpu.memory_space<vmem_shared>> -> memref<10000x128xf32, #tpu.memory_space<vmem_shared>>
      tpu.enqueue_indirect_dma source(%arg10 : memref<80x128xf32, #tpu.memory_space<vmem>>) target(%dma_start3A_157 : memref<10000x128xf32, #tpu.memory_space<vmem_shared>>) offsets(%dma_start3A_154 : memref<80xi32, #tpu.memory_space<vmem>>) semaphore(%arg14 : memref<!tpu.dma_semaphore, #tpu.memory_space<semaphore_mem>>) {add = true}
      %sub3A = arith.constant 1 : i32
      %sub3A_158 = arith.subi %add3A_132, %sub3A : i32
      %dma_wait3A_159 = arith.constant 0 : i32
      %dma_wait3A_160 = arith.constant 0 : i32
      %dma_wait3A_161 = tpu.memref_slice %arg8[%dma_wait3A_159, %dma_wait3A_160] : memref<24x80xi32, #tpu.memory_space<vmem>> -> memref<1x80xi32, #tpu.memory_space<vmem>>
      %dma_wait3A_162 = tpu.memref_squeeze %dma_wait3A_161 : memref<1x80xi32, #tpu.memory_space<vmem>> -> memref<80xi32, #tpu.memory_space<vmem>>
      %dma_wait3A_163 = arith.constant 0 : i32
      %dma_wait3A_164 = arith.constant 0 : i32
      %dma_wait3A_165 = tpu.memref_slice %arg12[%dma_wait3A_163, %dma_wait3A_164] : memref<10000x128xf32, #tpu.memory_space<vmem_shared>> -> memref<10000x128xf32, #tpu.memory_space<vmem_shared>>
      tpu.wait_indirect_dma semaphore(%arg14 : memref<!tpu.dma_semaphore, #tpu.memory_space<semaphore_mem>>) src(%arg9 : memref<80x128xf32, #tpu.memory_space<vmem>>) dst(%dma_wait3A_165 : memref<10000x128xf32, #tpu.memory_space<vmem_shared>>)
      %add3A_166 = arith.constant 2 : i32
      %add3A_167 = arith.addi %add3A_132, %add3A_166 : i32
      %lt3A = arith.constant 125 : i32
      %lt3A_168 = arith.cmpi slt, %add3A_167, %lt3A : i32
      %convert_element_type3A_169 = arith.extui %lt3A_168 : i1 to i32
      %cond3A_170 = arith.constant 0 : i32
      %cond3A_171 = arith.cmpi ne, %convert_element_type3A_169, %cond3A_170 : i32
      scf.if %cond3A_171 {
        %add3A_258 = arith.constant 2 : i32
        %add3A_259 = arith.addi %add3A_132, %add3A_258 : i32
        %mul3A_260 = arith.constant 80 : i32
        %mul3A_261 = arith.muli %add3A_259, %mul3A_260 : i32
        %add3A_262 = arith.addi %mul3A_2, %mul3A_261 : i32
        %dma_start3A_263 = arith.constant 0 : i32
        %dma_start3A_264 = arith.constant 0 : i32
        %dma_start3A_265 = tpu.memref_slice %arg8[%dma_start3A_263, %dma_start3A_264] : memref<24x80xi32, #tpu.memory_space<vmem>> -> memref<1x80xi32, #tpu.memory_space<vmem>>
        %dma_start3A_266 = tpu.memref_squeeze %dma_start3A_265 : memref<1x80xi32, #tpu.memory_space<vmem>> -> memref<80xi32, #tpu.memory_space<vmem>>
        %dma_start3A_267 = tpu.memref_slice %arg4[%add3A_262] : memref<320000xi32, #tpu.memory_space<hbm>> -> memref<80xi32, #tpu.memory_space<hbm>>
        %dma_start3A_268 = arith.constant 0 : i32
        %dma_start3A_269 = tpu.memref_slice %arg8[%dma_start3A_263, %dma_start3A_268] : memref<24x80xi32, #tpu.memory_space<vmem>> -> memref<1x80xi32, #tpu.memory_space<vmem>>
        %dma_start3A_270 = tpu.memref_squeeze %dma_start3A_269 : memref<1x80xi32, #tpu.memory_space<vmem>> -> memref<80xi32, #tpu.memory_space<vmem>>
        %dma_start3A_271 = tpu.memref_slice %arg4[%add3A_262] : memref<320000xi32, #tpu.memory_space<hbm>> -> memref<80xi32, #tpu.memory_space<hbm>>
        tpu.enqueue_dma source(%dma_start3A_271 : memref<80xi32, #tpu.memory_space<hbm>>) target(%dma_start3A_270 : memref<80xi32, #tpu.memory_space<vmem>>) target_semaphore(%arg15 : memref<!tpu.dma_semaphore, #tpu.memory_space<semaphore_mem>>)
        %add3A_272 = arith.constant 2 : i32
        %add3A_273 = arith.addi %add3A_132, %add3A_272 : i32
        %mul3A_274 = arith.constant 80 : i32
        %mul3A_275 = arith.muli %add3A_273, %mul3A_274 : i32
        %dma_start3A_276 = tpu.memref_slice %arg7[%mul3A_275] : memref<10000xi32, #tpu.memory_space<vmem>> -> memref<80xi32, #tpu.memory_space<vmem>>
        %dma_start3A_277 = arith.constant 0 : i32
        %dma_start3A_278 = arith.constant 0 : i32
        %dma_start3A_279 = tpu.memref_slice %arg2[%dma_start3A_277, %dma_start3A_278] : memref<10000x128xf32, #tpu.memory_space<hbm>> -> memref<10000x128xf32, #tpu.memory_space<hbm>>
        tpu.enqueue_indirect_dma source(%dma_start3A_279 : memref<10000x128xf32, #tpu.memory_space<hbm>>) target(%arg9 : memref<80x128xf32, #tpu.memory_space<vmem>>) offsets(%dma_start3A_276 : memref<80xi32, #tpu.memory_space<vmem>>) semaphore(%arg13 : memref<!tpu.dma_semaphore, #tpu.memory_space<semaphore_mem>>)
      } else {
      }
      %add3A_172 = arith.constant 2 : i32
      %add3A_173 = arith.addi %mul3A_130, %add3A_172 : i32
      %mul3A_174 = arith.constant 80 : i32
      %mul3A_175 = arith.muli %add3A_173, %mul3A_174 : i32
      %dma_wait3A_176 = tpu.memref_slice %arg7[%mul3A_175] : memref<10000xi32, #tpu.memory_space<vmem>> -> memref<80xi32, #tpu.memory_space<vmem>>
      %dma_wait3A_177 = arith.constant 0 : i32
      %dma_wait3A_178 = arith.constant 0 : i32
      %dma_wait3A_179 = tpu.memref_slice %arg2[%dma_wait3A_177, %dma_wait3A_178] : memref<10000x128xf32, #tpu.memory_space<hbm>> -> memref<10000x128xf32, #tpu.memory_space<hbm>>
      tpu.wait_indirect_dma semaphore(%arg13 : memref<!tpu.dma_semaphore, #tpu.memory_space<semaphore_mem>>) src(%dma_wait3A_179 : memref<10000x128xf32, #tpu.memory_space<hbm>>) dst(%arg11 : memref<80x128xf32, #tpu.memory_space<vmem>>)
      %mul3A_180 = arith.constant 80 : i32
      %mul3A_181 = arith.muli %add3A_173, %mul3A_180 : i32
      %add3A_182 = arith.addi %mul3A_2, %mul3A_181 : i32
      %dma_wait3A_183 = arith.constant 16 : i32
      %dma_wait3A_184 = arith.constant 0 : i32
      %dma_wait3A_185 = tpu.memref_slice %arg8[%dma_wait3A_183, %dma_wait3A_184] : memref<24x80xi32, #tpu.memory_space<vmem>> -> memref<1x80xi32, #tpu.memory_space<vmem>>
      %dma_wait3A_186 = tpu.memref_squeeze %dma_wait3A_185 : memref<1x80xi32, #tpu.memory_space<vmem>> -> memref<80xi32, #tpu.memory_space<vmem>>
      %dma_wait3A_187 = tpu.memref_slice %arg4[%add3A_182] : memref<320000xi32, #tpu.memory_space<hbm>> -> memref<80xi32, #tpu.memory_space<hbm>>
      %dma_wait3A_188 = arith.constant 0 : i32
      %dma_wait3A_189 = tpu.memref_slice %arg8[%dma_wait3A_183, %dma_wait3A_188] : memref<24x80xi32, #tpu.memory_space<vmem>> -> memref<1x80xi32, #tpu.memory_space<vmem>>
      %dma_wait3A_190 = tpu.memref_squeeze %dma_wait3A_189 : memref<1x80xi32, #tpu.memory_space<vmem>> -> memref<80xi32, #tpu.memory_space<vmem>>
      %dma_wait3A_191 = tpu.memref_slice %arg4[%add3A_182] : memref<320000xi32, #tpu.memory_space<hbm>> -> memref<80xi32, #tpu.memory_space<hbm>>
      tpu.wait_dma2 semaphore(%arg15 : memref<!tpu.dma_semaphore, #tpu.memory_space<semaphore_mem>>) src(%dma_wait3A_191 : memref<80xi32, #tpu.memory_space<hbm>>) dst(%dma_wait3A_190 : memref<80xi32, #tpu.memory_space<vmem>>)
      %dma_start3A_192 = arith.constant 16 : i32
      %dma_start3A_193 = arith.constant 0 : i32
      %dma_start3A_194 = tpu.memref_slice %arg8[%dma_start3A_192, %dma_start3A_193] : memref<24x80xi32, #tpu.memory_space<vmem>> -> memref<1x80xi32, #tpu.memory_space<vmem>>
      %dma_start3A_195 = tpu.memref_squeeze %dma_start3A_194 : memref<1x80xi32, #tpu.memory_space<vmem>> -> memref<80xi32, #tpu.memory_space<vmem>>
      %dma_start3A_196 = arith.constant 0 : i32
      %dma_start3A_197 = arith.constant 0 : i32
      %dma_start3A_198 = tpu.memref_slice %arg12[%dma_start3A_196, %dma_start3A_197] : memref<10000x128xf32, #tpu.memory_space<vmem_shared>> -> memref<10000x128xf32, #tpu.memory_space<vmem_shared>>
      tpu.enqueue_indirect_dma source(%arg11 : memref<80x128xf32, #tpu.memory_space<vmem>>) target(%dma_start3A_198 : memref<10000x128xf32, #tpu.memory_space<vmem_shared>>) offsets(%dma_start3A_195 : memref<80xi32, #tpu.memory_space<vmem>>) semaphore(%arg14 : memref<!tpu.dma_semaphore, #tpu.memory_space<semaphore_mem>>) {add = true}
      %sub3A_199 = arith.constant 1 : i32
      %sub3A_200 = arith.subi %add3A_173, %sub3A_199 : i32
      %dma_wait3A_201 = arith.constant 8 : i32
      %dma_wait3A_202 = arith.constant 0 : i32
      %dma_wait3A_203 = tpu.memref_slice %arg8[%dma_wait3A_201, %dma_wait3A_202] : memref<24x80xi32, #tpu.memory_space<vmem>> -> memref<1x80xi32, #tpu.memory_space<vmem>>
      %dma_wait3A_204 = tpu.memref_squeeze %dma_wait3A_203 : memref<1x80xi32, #tpu.memory_space<vmem>> -> memref<80xi32, #tpu.memory_space<vmem>>
      %dma_wait3A_205 = arith.constant 0 : i32
      %dma_wait3A_206 = arith.constant 0 : i32
      %dma_wait3A_207 = tpu.memref_slice %arg12[%dma_wait3A_205, %dma_wait3A_206] : memref<10000x128xf32, #tpu.memory_space<vmem_shared>> -> memref<10000x128xf32, #tpu.memory_space<vmem_shared>>
      tpu.wait_indirect_dma semaphore(%arg14 : memref<!tpu.dma_semaphore, #tpu.memory_space<semaphore_mem>>) src(%arg10 : memref<80x128xf32, #tpu.memory_space<vmem>>) dst(%dma_wait3A_207 : memref<10000x128xf32, #tpu.memory_space<vmem_shared>>)
      %add3A_208 = arith.constant 2 : i32
      %add3A_209 = arith.addi %add3A_173, %add3A_208 : i32
      %lt3A_210 = arith.constant 125 : i32
      %lt3A_211 = arith.cmpi slt, %add3A_209, %lt3A_210 : i32
      %convert_element_type3A_212 = arith.extui %lt3A_211 : i1 to i32
      %cond3A_213 = arith.constant 0 : i32
      %cond3A_214 = arith.cmpi ne, %convert_element_type3A_212, %cond3A_213 : i32
      scf.if %cond3A_214 {
        %add3A_258 = arith.constant 2 : i32
        %add3A_259 = arith.addi %add3A_173, %add3A_258 : i32
        %mul3A_260 = arith.constant 80 : i32
        %mul3A_261 = arith.muli %add3A_259, %mul3A_260 : i32
        %add3A_262 = arith.addi %mul3A_2, %mul3A_261 : i32
        %dma_start3A_263 = arith.constant 8 : i32
        %dma_start3A_264 = arith.constant 0 : i32
        %dma_start3A_265 = tpu.memref_slice %arg8[%dma_start3A_263, %dma_start3A_264] : memref<24x80xi32, #tpu.memory_space<vmem>> -> memref<1x80xi32, #tpu.memory_space<vmem>>
        %dma_start3A_266 = tpu.memref_squeeze %dma_start3A_265 : memref<1x80xi32, #tpu.memory_space<vmem>> -> memref<80xi32, #tpu.memory_space<vmem>>
        %dma_start3A_267 = tpu.memref_slice %arg4[%add3A_262] : memref<320000xi32, #tpu.memory_space<hbm>> -> memref<80xi32, #tpu.memory_space<hbm>>
        %dma_start3A_268 = arith.constant 0 : i32
        %dma_start3A_269 = tpu.memref_slice %arg8[%dma_start3A_263, %dma_start3A_268] : memref<24x80xi32, #tpu.memory_space<vmem>> -> memref<1x80xi32, #tpu.memory_space<vmem>>
        %dma_start3A_270 = tpu.memref_squeeze %dma_start3A_269 : memref<1x80xi32, #tpu.memory_space<vmem>> -> memref<80xi32, #tpu.memory_space<vmem>>
        %dma_start3A_271 = tpu.memref_slice %arg4[%add3A_262] : memref<320000xi32, #tpu.memory_space<hbm>> -> memref<80xi32, #tpu.memory_space<hbm>>
        tpu.enqueue_dma source(%dma_start3A_271 : memref<80xi32, #tpu.memory_space<hbm>>) target(%dma_start3A_270 : memref<80xi32, #tpu.memory_space<vmem>>) target_semaphore(%arg15 : memref<!tpu.dma_semaphore, #tpu.memory_space<semaphore_mem>>)
        %add3A_272 = arith.constant 2 : i32
        %add3A_273 = arith.addi %add3A_173, %add3A_272 : i32
        %mul3A_274 = arith.constant 80 : i32
        %mul3A_275 = arith.muli %add3A_273, %mul3A_274 : i32
        %dma_start3A_276 = tpu.memref_slice %arg7[%mul3A_275] : memref<10000xi32, #tpu.memory_space<vmem>> -> memref<80xi32, #tpu.memory_space<vmem>>
        %dma_start3A_277 = arith.constant 0 : i32
        %dma_start3A_278 = arith.constant 0 : i32
        %dma_start3A_279 = tpu.memref_slice %arg2[%dma_start3A_277, %dma_start3A_278] : memref<10000x128xf32, #tpu.memory_space<hbm>> -> memref<10000x128xf32, #tpu.memory_space<hbm>>
        tpu.enqueue_indirect_dma source(%dma_start3A_279 : memref<10000x128xf32, #tpu.memory_space<hbm>>) target(%arg10 : memref<80x128xf32, #tpu.memory_space<vmem>>) offsets(%dma_start3A_276 : memref<80xi32, #tpu.memory_space<vmem>>) semaphore(%arg13 : memref<!tpu.dma_semaphore, #tpu.memory_space<semaphore_mem>>)
      } else {
      }
      %add3A_215 = arith.constant 3 : i32
      %add3A_216 = arith.addi %mul3A_130, %add3A_215 : i32
      %mul3A_217 = arith.constant 80 : i32
      %mul3A_218 = arith.muli %add3A_216, %mul3A_217 : i32
      %dma_wait3A_219 = tpu.memref_slice %arg7[%mul3A_218] : memref<10000xi32, #tpu.memory_space<vmem>> -> memref<80xi32, #tpu.memory_space<vmem>>
      %dma_wait3A_220 = arith.constant 0 : i32
      %dma_wait3A_221 = arith.constant 0 : i32
      %dma_wait3A_222 = tpu.memref_slice %arg2[%dma_wait3A_220, %dma_wait3A_221] : memref<10000x128xf32, #tpu.memory_space<hbm>> -> memref<10000x128xf32, #tpu.memory_space<hbm>>
      tpu.wait_indirect_dma semaphore(%arg13 : memref<!tpu.dma_semaphore, #tpu.memory_space<semaphore_mem>>) src(%dma_wait3A_222 : memref<10000x128xf32, #tpu.memory_space<hbm>>) dst(%arg9 : memref<80x128xf32, #tpu.memory_space<vmem>>)
      %mul3A_223 = arith.constant 80 : i32
      %mul3A_224 = arith.muli %add3A_216, %mul3A_223 : i32
      %add3A_225 = arith.addi %mul3A_2, %mul3A_224 : i32
      %dma_wait3A_226 = arith.constant 0 : i32
      %dma_wait3A_227 = arith.constant 0 : i32
      %dma_wait3A_228 = tpu.memref_slice %arg8[%dma_wait3A_226, %dma_wait3A_227] : memref<24x80xi32, #tpu.memory_space<vmem>> -> memref<1x80xi32, #tpu.memory_space<vmem>>
      %dma_wait3A_229 = tpu.memref_squeeze %dma_wait3A_228 : memref<1x80xi32, #tpu.memory_space<vmem>> -> memref<80xi32, #tpu.memory_space<vmem>>
      %dma_wait3A_230 = tpu.memref_slice %arg4[%add3A_225] : memref<320000xi32, #tpu.memory_space<hbm>> -> memref<80xi32, #tpu.memory_space<hbm>>
      %dma_wait3A_231 = arith.constant 0 : i32
      %dma_wait3A_232 = tpu.memref_slice %arg8[%dma_wait3A_226, %dma_wait3A_231] : memref<24x80xi32, #tpu.memory_space<vmem>> -> memref<1x80xi32, #tpu.memory_space<vmem>>
      %dma_wait3A_233 = tpu.memref_squeeze %dma_wait3A_232 : memref<1x80xi32, #tpu.memory_space<vmem>> -> memref<80xi32, #tpu.memory_space<vmem>>
      %dma_wait3A_234 = tpu.memref_slice %arg4[%add3A_225] : memref<320000xi32, #tpu.memory_space<hbm>> -> memref<80xi32, #tpu.memory_space<hbm>>
      tpu.wait_dma2 semaphore(%arg15 : memref<!tpu.dma_semaphore, #tpu.memory_space<semaphore_mem>>) src(%dma_wait3A_234 : memref<80xi32, #tpu.memory_space<hbm>>) dst(%dma_wait3A_233 : memref<80xi32, #tpu.memory_space<vmem>>)
      %dma_start3A_235 = arith.constant 0 : i32
      %dma_start3A_236 = arith.constant 0 : i32
      %dma_start3A_237 = tpu.memref_slice %arg8[%dma_start3A_235, %dma_start3A_236] : memref<24x80xi32, #tpu.memory_space<vmem>> -> memref<1x80xi32, #tpu.memory_space<vmem>>
      %dma_start3A_238 = tpu.memref_squeeze %dma_start3A_237 : memref<1x80xi32, #tpu.memory_space<vmem>> -> memref<80xi32, #tpu.memory_space<vmem>>
      %dma_start3A_239 = arith.constant 0 : i32
      %dma_start3A_240 = arith.constant 0 : i32
      %dma_start3A_241 = tpu.memref_slice %arg12[%dma_start3A_239, %dma_start3A_240] : memref<10000x128xf32, #tpu.memory_space<vmem_shared>> -> memref<10000x128xf32, #tpu.memory_space<vmem_shared>>
      tpu.enqueue_indirect_dma source(%arg9 : memref<80x128xf32, #tpu.memory_space<vmem>>) target(%dma_start3A_241 : memref<10000x128xf32, #tpu.memory_space<vmem_shared>>) offsets(%dma_start3A_238 : memref<80xi32, #tpu.memory_space<vmem>>) semaphore(%arg14 : memref<!tpu.dma_semaphore, #tpu.memory_space<semaphore_mem>>) {add = true}
      %sub3A_242 = arith.constant 1 : i32
      %sub3A_243 = arith.subi %add3A_216, %sub3A_242 : i32
      %dma_wait3A_244 = arith.constant 16 : i32
      %dma_wait3A_245 = arith.constant 0 : i32
      %dma_wait3A_246 = tpu.memref_slice %arg8[%dma_wait3A_244, %dma_wait3A_245] : memref<24x80xi32, #tpu.memory_space<vmem>> -> memref<1x80xi32, #tpu.memory_space<vmem>>
      %dma_wait3A_247 = tpu.memref_squeeze %dma_wait3A_246 : memref<1x80xi32, #tpu.memory_space<vmem>> -> memref<80xi32, #tpu.memory_space<vmem>>
      %dma_wait3A_248 = arith.constant 0 : i32
      %dma_wait3A_249 = arith.constant 0 : i32
      %dma_wait3A_250 = tpu.memref_slice %arg12[%dma_wait3A_248, %dma_wait3A_249] : memref<10000x128xf32, #tpu.memory_space<vmem_shared>> -> memref<10000x128xf32, #tpu.memory_space<vmem_shared>>
      tpu.wait_indirect_dma semaphore(%arg14 : memref<!tpu.dma_semaphore, #tpu.memory_space<semaphore_mem>>) src(%arg11 : memref<80x128xf32, #tpu.memory_space<vmem>>) dst(%dma_wait3A_250 : memref<10000x128xf32, #tpu.memory_space<vmem_shared>>)
      %add3A_251 = arith.constant 2 : i32
      %add3A_252 = arith.addi %add3A_216, %add3A_251 : i32
      %lt3A_253 = arith.constant 125 : i32
      %lt3A_254 = arith.cmpi slt, %add3A_252, %lt3A_253 : i32
      %convert_element_type3A_255 = arith.extui %lt3A_254 : i1 to i32
      %cond3A_256 = arith.constant 0 : i32
      %cond3A_257 = arith.cmpi ne, %convert_element_type3A_255, %cond3A_256 : i32
      scf.if %cond3A_257 {
        %add3A_258 = arith.constant 2 : i32
        %add3A_259 = arith.addi %add3A_216, %add3A_258 : i32
        %mul3A_260 = arith.constant 80 : i32
        %mul3A_261 = arith.muli %add3A_259, %mul3A_260 : i32
        %add3A_262 = arith.addi %mul3A_2, %mul3A_261 : i32
        %dma_start3A_263 = arith.constant 16 : i32
        %dma_start3A_264 = arith.constant 0 : i32
        %dma_start3A_265 = tpu.memref_slice %arg8[%dma_start3A_263, %dma_start3A_264] : memref<24x80xi32, #tpu.memory_space<vmem>> -> memref<1x80xi32, #tpu.memory_space<vmem>>
        %dma_start3A_266 = tpu.memref_squeeze %dma_start3A_265 : memref<1x80xi32, #tpu.memory_space<vmem>> -> memref<80xi32, #tpu.memory_space<vmem>>
        %dma_start3A_267 = tpu.memref_slice %arg4[%add3A_262] : memref<320000xi32, #tpu.memory_space<hbm>> -> memref<80xi32, #tpu.memory_space<hbm>>
        %dma_start3A_268 = arith.constant 0 : i32
        %dma_start3A_269 = tpu.memref_slice %arg8[%dma_start3A_263, %dma_start3A_268] : memref<24x80xi32, #tpu.memory_space<vmem>> -> memref<1x80xi32, #tpu.memory_space<vmem>>
        %dma_start3A_270 = tpu.memref_squeeze %dma_start3A_269 : memref<1x80xi32, #tpu.memory_space<vmem>> -> memref<80xi32, #tpu.memory_space<vmem>>
        %dma_start3A_271 = tpu.memref_slice %arg4[%add3A_262] : memref<320000xi32, #tpu.memory_space<hbm>> -> memref<80xi32, #tpu.memory_space<hbm>>
        tpu.enqueue_dma source(%dma_start3A_271 : memref<80xi32, #tpu.memory_space<hbm>>) target(%dma_start3A_270 : memref<80xi32, #tpu.memory_space<vmem>>) target_semaphore(%arg15 : memref<!tpu.dma_semaphore, #tpu.memory_space<semaphore_mem>>)
        %add3A_272 = arith.constant 2 : i32
        %add3A_273 = arith.addi %add3A_216, %add3A_272 : i32
        %mul3A_274 = arith.constant 80 : i32
        %mul3A_275 = arith.muli %add3A_273, %mul3A_274 : i32
        %dma_start3A_276 = tpu.memref_slice %arg7[%mul3A_275] : memref<10000xi32, #tpu.memory_space<vmem>> -> memref<80xi32, #tpu.memory_space<vmem>>
        %dma_start3A_277 = arith.constant 0 : i32
        %dma_start3A_278 = arith.constant 0 : i32
        %dma_start3A_279 = tpu.memref_slice %arg2[%dma_start3A_277, %dma_start3A_278] : memref<10000x128xf32, #tpu.memory_space<hbm>> -> memref<10000x128xf32, #tpu.memory_space<hbm>>
        tpu.enqueue_indirect_dma source(%dma_start3A_279 : memref<10000x128xf32, #tpu.memory_space<hbm>>) target(%arg11 : memref<80x128xf32, #tpu.memory_space<vmem>>) offsets(%dma_start3A_276 : memref<80xi32, #tpu.memory_space<vmem>>) semaphore(%arg13 : memref<!tpu.dma_semaphore, #tpu.memory_space<semaphore_mem>>)
      } else {
      }
    }
    %scan3A_80 = arith.constant 41 : i32
    %dma_wait3A_81 = arith.constant 9920 : i32
    %dma_wait3A_82 = tpu.memref_slice %arg7[%dma_wait3A_81] : memref<10000xi32, #tpu.memory_space<vmem>> -> memref<80xi32, #tpu.memory_space<vmem>>
    %dma_wait3A_83 = arith.constant 0 : i32
    %dma_wait3A_84 = arith.constant 0 : i32
    %dma_wait3A_85 = tpu.memref_slice %arg2[%dma_wait3A_83, %dma_wait3A_84] : memref<10000x128xf32, #tpu.memory_space<hbm>> -> memref<10000x128xf32, #tpu.memory_space<hbm>>
    tpu.wait_indirect_dma semaphore(%arg13 : memref<!tpu.dma_semaphore, #tpu.memory_space<semaphore_mem>>) src(%dma_wait3A_85 : memref<10000x128xf32, #tpu.memory_space<hbm>>) dst(%arg10 : memref<80x128xf32, #tpu.memory_space<vmem>>)
    %add3A_86 = arith.constant 9920 : i32
    %add3A_87 = arith.addi %mul3A_2, %add3A_86 : i32
    %dma_wait3A_88 = arith.constant 8 : i32
    %dma_wait3A_89 = arith.constant 0 : i32
    %dma_wait3A_90 = tpu.memref_slice %arg8[%dma_wait3A_88, %dma_wait3A_89] : memref<24x80xi32, #tpu.memory_space<vmem>> -> memref<1x80xi32, #tpu.memory_space<vmem>>
    %dma_wait3A_91 = tpu.memref_squeeze %dma_wait3A_90 : memref<1x80xi32, #tpu.memory_space<vmem>> -> memref<80xi32, #tpu.memory_space<vmem>>
    %dma_wait3A_92 = tpu.memref_slice %arg4[%add3A_87] : memref<320000xi32, #tpu.memory_space<hbm>> -> memref<80xi32, #tpu.memory_space<hbm>>
    %dma_wait3A_93 = arith.constant 0 : i32
    %dma_wait3A_94 = tpu.memref_slice %arg8[%dma_wait3A_88, %dma_wait3A_93] : memref<24x80xi32, #tpu.memory_space<vmem>> -> memref<1x80xi32, #tpu.memory_space<vmem>>
    %dma_wait3A_95 = tpu.memref_squeeze %dma_wait3A_94 : memref<1x80xi32, #tpu.memory_space<vmem>> -> memref<80xi32, #tpu.memory_space<vmem>>
    %dma_wait3A_96 = tpu.memref_slice %arg4[%add3A_87] : memref<320000xi32, #tpu.memory_space<hbm>> -> memref<80xi32, #tpu.memory_space<hbm>>
    tpu.wait_dma2 semaphore(%arg15 : memref<!tpu.dma_semaphore, #tpu.memory_space<semaphore_mem>>) src(%dma_wait3A_96 : memref<80xi32, #tpu.memory_space<hbm>>) dst(%dma_wait3A_95 : memref<80xi32, #tpu.memory_space<vmem>>)
    %dma_start3A_97 = arith.constant 8 : i32
    %dma_start3A_98 = arith.constant 0 : i32
    %dma_start3A_99 = tpu.memref_slice %arg8[%dma_start3A_97, %dma_start3A_98] : memref<24x80xi32, #tpu.memory_space<vmem>> -> memref<1x80xi32, #tpu.memory_space<vmem>>
    %dma_start3A_100 = tpu.memref_squeeze %dma_start3A_99 : memref<1x80xi32, #tpu.memory_space<vmem>> -> memref<80xi32, #tpu.memory_space<vmem>>
    %dma_start3A_101 = arith.constant 0 : i32
    %dma_start3A_102 = arith.constant 0 : i32
    %dma_start3A_103 = tpu.memref_slice %arg12[%dma_start3A_101, %dma_start3A_102] : memref<10000x128xf32, #tpu.memory_space<vmem_shared>> -> memref<10000x128xf32, #tpu.memory_space<vmem_shared>>
    tpu.enqueue_indirect_dma source(%arg10 : memref<80x128xf32, #tpu.memory_space<vmem>>) target(%dma_start3A_103 : memref<10000x128xf32, #tpu.memory_space<vmem_shared>>) offsets(%dma_start3A_100 : memref<80xi32, #tpu.memory_space<vmem>>) semaphore(%arg14 : memref<!tpu.dma_semaphore, #tpu.memory_space<semaphore_mem>>) {add = true}
    %dma_wait3A_104 = arith.constant 0 : i32
    %dma_wait3A_105 = arith.constant 0 : i32
    %dma_wait3A_106 = tpu.memref_slice %arg8[%dma_wait3A_104, %dma_wait3A_105] : memref<24x80xi32, #tpu.memory_space<vmem>> -> memref<1x80xi32, #tpu.memory_space<vmem>>
    %dma_wait3A_107 = tpu.memref_squeeze %dma_wait3A_106 : memref<1x80xi32, #tpu.memory_space<vmem>> -> memref<80xi32, #tpu.memory_space<vmem>>
    %dma_wait3A_108 = arith.constant 0 : i32
    %dma_wait3A_109 = arith.constant 0 : i32
    %dma_wait3A_110 = tpu.memref_slice %arg12[%dma_wait3A_108, %dma_wait3A_109] : memref<10000x128xf32, #tpu.memory_space<vmem_shared>> -> memref<10000x128xf32, #tpu.memory_space<vmem_shared>>
    tpu.wait_indirect_dma semaphore(%arg14 : memref<!tpu.dma_semaphore, #tpu.memory_space<semaphore_mem>>) src(%arg9 : memref<80x128xf32, #tpu.memory_space<vmem>>) dst(%dma_wait3A_110 : memref<10000x128xf32, #tpu.memory_space<vmem_shared>>)
    %dma_wait3A_111 = arith.constant 8 : i32
    %dma_wait3A_112 = arith.constant 0 : i32
    %dma_wait3A_113 = tpu.memref_slice %arg8[%dma_wait3A_111, %dma_wait3A_112] : memref<24x80xi32, #tpu.memory_space<vmem>> -> memref<1x80xi32, #tpu.memory_space<vmem>>
    %dma_wait3A_114 = tpu.memref_squeeze %dma_wait3A_113 : memref<1x80xi32, #tpu.memory_space<vmem>> -> memref<80xi32, #tpu.memory_space<vmem>>
    %dma_wait3A_115 = arith.constant 0 : i32
    %dma_wait3A_116 = arith.constant 0 : i32
    %dma_wait3A_117 = tpu.memref_slice %arg12[%dma_wait3A_115, %dma_wait3A_116] : memref<10000x128xf32, #tpu.memory_space<vmem_shared>> -> memref<10000x128xf32, #tpu.memory_space<vmem_shared>>
    tpu.wait_indirect_dma semaphore(%arg14 : memref<!tpu.dma_semaphore, #tpu.memory_space<semaphore_mem>>) src(%arg10 : memref<80x128xf32, #tpu.memory_space<vmem>>) dst(%dma_wait3A_117 : memref<10000x128xf32, #tpu.memory_space<vmem_shared>>)
    %barrier3A_118 = arith.constant 0 : index
    tpu.barrier barrier_id(%barrier3A_118)
    %mul3A_119 = arith.constant 624 : i32
    %mul3A_120 = arith.muli %arg1, %mul3A_119 : i32
    %mul3A_121 = arith.constant 624 : i32
    %mul3A_122 = arith.muli %arg1, %mul3A_121 : i32
    "tpu.region"() ({
      %run_scoped3A = tpu.sem_alloc : memref<!tpu.dma_semaphore, #tpu.memory_space<semaphore_mem>>
      %dma_start3A_128 = arith.constant 0 : i32
      %dma_start3A_129 = tpu.memref_slice %arg6[%arg0, %mul3A_122, %dma_start3A_128] : memref<2x10000x128xf32, #tpu.memory_space<hbm>> -> memref<1x624x128xf32, #tpu.memory_space<hbm>>
      %dma_start3A_130 = tpu.memref_squeeze %dma_start3A_129 : memref<1x624x128xf32, #tpu.memory_space<hbm>> -> memref<624x128xf32, #tpu.memory_space<hbm>>
      %dma_start3A_131 = arith.constant 0 : i32
      %dma_start3A_132 = tpu.memref_slice %arg12[%mul3A_120, %dma_start3A_131] : memref<10000x128xf32, #tpu.memory_space<vmem_shared>> -> memref<624x128xf32, #tpu.memory_space<vmem_shared>>
      tpu.enqueue_dma source(%dma_start3A_132 : memref<624x128xf32, #tpu.memory_space<vmem_shared>>) target(%dma_start3A_130 : memref<624x128xf32, #tpu.memory_space<hbm>>) target_semaphore(%run_scoped3A : memref<!tpu.dma_semaphore, #tpu.memory_space<semaphore_mem>>)
      %dma_wait3A_133 = arith.constant 0 : i32
      %dma_wait3A_134 = tpu.memref_slice %arg6[%arg0, %mul3A_122, %dma_wait3A_133] : memref<2x10000x128xf32, #tpu.memory_space<hbm>> -> memref<1x624x128xf32, #tpu.memory_space<hbm>>
      %dma_wait3A_135 = tpu.memref_squeeze %dma_wait3A_134 : memref<1x624x128xf32, #tpu.memory_space<hbm>> -> memref<624x128xf32, #tpu.memory_space<hbm>>
      %dma_wait3A_136 = arith.constant 0 : i32
      %dma_wait3A_137 = tpu.memref_slice %arg12[%mul3A_120, %dma_wait3A_136] : memref<10000x128xf32, #tpu.memory_space<vmem_shared>> -> memref<624x128xf32, #tpu.memory_space<vmem_shared>>
      tpu.wait_dma2 semaphore(%run_scoped3A : memref<!tpu.dma_semaphore, #tpu.memory_space<semaphore_mem>>) src(%dma_wait3A_137 : memref<624x128xf32, #tpu.memory_space<vmem_shared>>) dst(%dma_wait3A_135 : memref<624x128xf32, #tpu.memory_space<hbm>>)
      tpu.yield
    }) : () -> ()
    %eq3A_123 = arith.constant 15 : i32
    %eq3A_124 = arith.cmpi eq, %arg1, %eq3A_123 : i32
    %convert_element_type3A_125 = arith.extui %eq3A_124 : i1 to i32
    %cond3A_126 = arith.constant 0 : i32
    %cond3A_127 = arith.cmpi ne, %convert_element_type3A_125, %cond3A_126 : i32
    scf.if %cond3A_127 {
      "tpu.region"() ({
        %run_scoped3A = tpu.sem_alloc : memref<!tpu.dma_semaphore, #tpu.memory_space<semaphore_mem>>
        %dma_start3A_128 = arith.constant 9984 : i32
        %dma_start3A_129 = arith.constant 0 : i32
        %dma_start3A_130 = tpu.memref_slice %arg6[%arg0, %dma_start3A_128, %dma_start3A_129] : memref<2x10000x128xf32, #tpu.memory_space<hbm>> -> memref<1x16x128xf32, #tpu.memory_space<hbm>>
        %dma_start3A_131 = tpu.memref_squeeze %dma_start3A_130 : memref<1x16x128xf32, #tpu.memory_space<hbm>> -> memref<16x128xf32, #tpu.memory_space<hbm>>
        %dma_start3A_132 = arith.constant 9984 : i32
        %dma_start3A_133 = arith.constant 0 : i32
        %dma_start3A_134 = tpu.memref_slice %arg12[%dma_start3A_132, %dma_start3A_133] : memref<10000x128xf32, #tpu.memory_space<vmem_shared>> -> memref<16x128xf32, #tpu.memory_space<vmem_shared>>
        tpu.enqueue_dma source(%dma_start3A_134 : memref<16x128xf32, #tpu.memory_space<vmem_shared>>) target(%dma_start3A_131 : memref<16x128xf32, #tpu.memory_space<hbm>>) target_semaphore(%run_scoped3A : memref<!tpu.dma_semaphore, #tpu.memory_space<semaphore_mem>>)
        %dma_wait3A_135 = arith.constant 9984 : i32
        %dma_wait3A_136 = arith.constant 0 : i32
        %dma_wait3A_137 = tpu.memref_slice %arg6[%arg0, %dma_wait3A_135, %dma_wait3A_136] : memref<2x10000x128xf32, #tpu.memory_space<hbm>> -> memref<1x16x128xf32, #tpu.memory_space<hbm>>
        %dma_wait3A_138 = tpu.memref_squeeze %dma_wait3A_137 : memref<1x16x128xf32, #tpu.memory_space<hbm>> -> memref<16x128xf32, #tpu.memory_space<hbm>>
        %dma_wait3A_139 = arith.constant 9984 : i32
        %dma_wait3A_140 = arith.constant 0 : i32
        %dma_wait3A_141 = tpu.memref_slice %arg12[%dma_wait3A_139, %dma_wait3A_140] : memref<10000x128xf32, #tpu.memory_space<vmem_shared>> -> memref<16x128xf32, #tpu.memory_space<vmem_shared>>
        tpu.wait_dma2 semaphore(%run_scoped3A : memref<!tpu.dma_semaphore, #tpu.memory_space<semaphore_mem>>) src(%dma_wait3A_141 : memref<16x128xf32, #tpu.memory_space<vmem_shared>>) dst(%dma_wait3A_138 : memref<16x128xf32, #tpu.memory_space<hbm>>)
        tpu.yield
      }) : () -> ()
    } else {
    }
    return
  }
}

#map = affine_map<(d0, d1) -> (0, 0)>
#map1 = affine_map<(d0, d1) -> (0)>
#map2 = affine_map<(d0, d1) -> (0, 0, 0)>
module attributes {stable_mosaic.version = 14 : i64} {
  func.func @k(%arg0: i32, %arg1: i32, %arg2: memref<10000x128xf32, #tpu.memory_space<hbm>>, %arg3: memref<32x10000xi32, #tpu.memory_space<hbm>>, %arg4: memref<320000xi32, #tpu.memory_space<hbm>>, %arg5: memref<624x128xf32, #tpu.memory_space<hbm>>, %arg6: memref<2x10000x128xf32, #tpu.memory_space<hbm>>, %arg7: memref<10000xi32, #tpu.memory_space<vmem>>, %arg8: memref<24x80xi32, #tpu.memory_space<vmem>>, %arg9: memref<80x128xf32, #tpu.memory_space<vmem>>, %arg10: memref<80x128xf32, #tpu.memory_space<vmem>>, %arg11: memref<80x128xf32, #tpu.memory_space<vmem>>, %arg12: memref<10000x128xf32, #tpu.memory_space<vmem_shared>>, %arg13: memref<!tpu.dma_semaphore, #tpu.memory_space<semaphore_mem>>, %arg14: memref<!tpu.dma_semaphore, #tpu.memory_space<semaphore_mem>>, %arg15: memref<!tpu.dma_semaphore, #tpu.memory_space<semaphore_mem>>) attributes {dimension_semantics = [#tpu.dimension_semantics<core_parallel>, #tpu.dimension_semantics<subcore_parallel>], iteration_bounds = array<i64: 2, 16>, scalar_prefetch = 0 : i64, scratch_operands = 9 : i64, tpu.core_type = #tpu.core_type<sc_vector_subcore>, window_params = [{transform_indices = #map}, {transform_indices = #map}, {transform_indices = #map1}, {transform_indices = #map}, {transform_indices = #map2}]} {
    %mul3A = arith.constant 2 : i32
    %mul3A_0 = arith.muli %arg1, %mul3A : i32
    %add3A = arith.addi %mul3A_0, %arg0 : i32
    %mul3A_1 = arith.constant 10000 : i32
    %mul3A_2 = arith.muli %add3A, %mul3A_1 : i32
    "tpu.region"() ({
      %run_scoped3A = tpu.sem_alloc : memref<!tpu.dma_semaphore, #tpu.memory_space<semaphore_mem>>
      %dma_start3A_128 = arith.constant 0 : i32
      %dma_start3A_129 = tpu.memref_slice %arg3[%add3A, %dma_start3A_128] : memref<32x10000xi32, #tpu.memory_space<hbm>> -> memref<1x10000xi32, #tpu.memory_space<hbm>>
      %dma_start3A_130 = tpu.memref_squeeze %dma_start3A_129 : memref<1x10000xi32, #tpu.memory_space<hbm>> -> memref<10000xi32, #tpu.memory_space<hbm>>
      %dma_start3A_131 = arith.constant 0 : i32
      %dma_start3A_132 = tpu.memref_slice %arg3[%add3A, %dma_start3A_131] : memref<32x10000xi32, #tpu.memory_space<hbm>> -> memref<1x10000xi32, #tpu.memory_space<hbm>>
      %dma_start3A_133 = tpu.memref_squeeze %dma_start3A_132 : memref<1x10000xi32, #tpu.memory_space<hbm>> -> memref<10000xi32, #tpu.memory_space<hbm>>
      tpu.enqueue_dma source(%dma_start3A_133 : memref<10000xi32, #tpu.memory_space<hbm>>) target(%arg7 : memref<10000xi32, #tpu.memory_space<vmem>>) target_semaphore(%run_scoped3A : memref<!tpu.dma_semaphore, #tpu.memory_space<semaphore_mem>>)
      %dma_wait3A_134 = arith.constant 0 : i32
      %dma_wait3A_135 = tpu.memref_slice %arg3[%add3A, %dma_wait3A_134] : memref<32x10000xi32, #tpu.memory_space<hbm>> -> memref<1x10000xi32, #tpu.memory_space<hbm>>
      %dma_wait3A_136 = tpu.memref_squeeze %dma_wait3A_135 : memref<1x10000xi32, #tpu.memory_space<hbm>> -> memref<10000xi32, #tpu.memory_space<hbm>>
      %dma_wait3A_137 = arith.constant 0 : i32
      %dma_wait3A_138 = tpu.memref_slice %arg3[%add3A, %dma_wait3A_137] : memref<32x10000xi32, #tpu.memory_space<hbm>> -> memref<1x10000xi32, #tpu.memory_space<hbm>>
      %dma_wait3A_139 = tpu.memref_squeeze %dma_wait3A_138 : memref<1x10000xi32, #tpu.memory_space<hbm>> -> memref<10000xi32, #tpu.memory_space<hbm>>
      tpu.wait_dma2 semaphore(%run_scoped3A : memref<!tpu.dma_semaphore, #tpu.memory_space<semaphore_mem>>) src(%dma_wait3A_139 : memref<10000xi32, #tpu.memory_space<hbm>>) dst(%arg7 : memref<10000xi32, #tpu.memory_space<vmem>>)
      tpu.yield
    }) : () -> ()
    %add3A_3 = arith.constant 0 : i32
    %add3A_4 = arith.addi %mul3A_2, %add3A_3 : i32
    %dma_start3A = arith.constant 0 : i32
    %dma_start3A_5 = arith.constant 0 : i32
    %dma_start3A_6 = tpu.memref_slice %arg8[%dma_start3A, %dma_start3A_5] : memref<24x80xi32, #tpu.memory_space<vmem>> -> memref<1x80xi32, #tpu.memory_space<vmem>>
    %dma_start3A_7 = tpu.memref_squeeze %dma_start3A_6 : memref<1x80xi32, #tpu.memory_space<vmem>> -> memref<80xi32, #tpu.memory_space<vmem>>
    %dma_start3A_8 = tpu.memref_slice %arg4[%add3A_4] : memref<320000xi32, #tpu.memory_space<hbm>> -> memref<80xi32, #tpu.memory_space<hbm>>
    %dma_start3A_9 = arith.constant 0 : i32
    %dma_start3A_10 = tpu.memref_slice %arg8[%dma_start3A, %dma_start3A_9] : memref<24x80xi32, #tpu.memory_space<vmem>> -> memref<1x80xi32, #tpu.memory_space<vmem>>
    %dma_start3A_11 = tpu.memref_squeeze %dma_start3A_10 : memref<1x80xi32, #tpu.memory_space<vmem>> -> memref<80xi32, #tpu.memory_space<vmem>>
    %dma_start3A_12 = tpu.memref_slice %arg4[%add3A_4] : memref<320000xi32, #tpu.memory_space<hbm>> -> memref<80xi32, #tpu.memory_space<hbm>>
    tpu.enqueue_dma source(%dma_start3A_12 : memref<80xi32, #tpu.memory_space<hbm>>) target(%dma_start3A_11 : memref<80xi32, #tpu.memory_space<vmem>>) target_semaphore(%arg15 : memref<!tpu.dma_semaphore, #tpu.memory_space<semaphore_mem>>)
    %add3A_13 = arith.constant 80 : i32
    %add3A_14 = arith.addi %mul3A_2, %add3A_13 : i32
    %dma_start3A_15 = arith.constant 8 : i32
    %dma_start3A_16 = arith.constant 0 : i32
    %dma_start3A_17 = tpu.memref_slice %arg8[%dma_start3A_15, %dma_start3A_16] : memref<24x80xi32, #tpu.memory_space<vmem>> -> memref<1x80xi32, #tpu.memory_space<vmem>>
    %dma_start3A_18 = tpu.memref_squeeze %dma_start3A_17 : memref<1x80xi32, #tpu.memory_space<vmem>> -> memref<80xi32, #tpu.memory_space<vmem>>
    %dma_start3A_19 = tpu.memref_slice %arg4[%add3A_14] : memref<320000xi32, #tpu.memory_space<hbm>> -> memref<80xi32, #tpu.memory_space<hbm>>
    %dma_start3A_20 = arith.constant 0 : i32
    %dma_start3A_21 = tpu.memref_slice %arg8[%dma_start3A_15, %dma_start3A_20] : memref<24x80xi32, #tpu.memory_space<vmem>> -> memref<1x80xi32, #tpu.memory_space<vmem>>
    %dma_start3A_22 = tpu.memref_squeeze %dma_start3A_21 : memref<1x80xi32, #tpu.memory_space<vmem>> -> memref<80xi32, #tpu.memory_space<vmem>>
    %dma_start3A_23 = tpu.memref_slice %arg4[%add3A_14] : memref<320000xi32, #tpu.memory_space<hbm>> -> memref<80xi32, #tpu.memory_space<hbm>>
    tpu.enqueue_dma source(%dma_start3A_23 : memref<80xi32, #tpu.memory_space<hbm>>) target(%dma_start3A_22 : memref<80xi32, #tpu.memory_space<vmem>>) target_semaphore(%arg15 : memref<!tpu.dma_semaphore, #tpu.memory_space<semaphore_mem>>)
    %dma_start3A_24 = arith.constant 0 : i32
    %dma_start3A_25 = tpu.memref_slice %arg7[%dma_start3A_24] : memref<10000xi32, #tpu.memory_space<vmem>> -> memref<80xi32, #tpu.memory_space<vmem>>
    %dma_start3A_26 = arith.constant 0 : i32
    %dma_start3A_27 = arith.constant 0 : i32
    %dma_start3A_28 = tpu.memref_slice %arg2[%dma_start3A_26, %dma_start3A_27] : memref<10000x128xf32, #tpu.memory_space<hbm>> -> memref<10000x128xf32, #tpu.memory_space<hbm>>
    tpu.enqueue_indirect_dma source(%dma_start3A_28 : memref<10000x128xf32, #tpu.memory_space<hbm>>) target(%arg9 : memref<80x128xf32, #tpu.memory_space<vmem>>) offsets(%dma_start3A_25 : memref<80xi32, #tpu.memory_space<vmem>>) semaphore(%arg13 : memref<!tpu.dma_semaphore, #tpu.memory_space<semaphore_mem>>)
    %dma_start3A_29 = arith.constant 80 : i32
    %dma_start3A_30 = tpu.memref_slice %arg7[%dma_start3A_29] : memref<10000xi32, #tpu.memory_space<vmem>> -> memref<80xi32, #tpu.memory_space<vmem>>
    %dma_start3A_31 = arith.constant 0 : i32
    %dma_start3A_32 = arith.constant 0 : i32
    %dma_start3A_33 = tpu.memref_slice %arg2[%dma_start3A_31, %dma_start3A_32] : memref<10000x128xf32, #tpu.memory_space<hbm>> -> memref<10000x128xf32, #tpu.memory_space<hbm>>
    tpu.enqueue_indirect_dma source(%dma_start3A_33 : memref<10000x128xf32, #tpu.memory_space<hbm>>) target(%arg10 : memref<80x128xf32, #tpu.memory_space<vmem>>) offsets(%dma_start3A_30 : memref<80xi32, #tpu.memory_space<vmem>>) semaphore(%arg13 : memref<!tpu.dma_semaphore, #tpu.memory_space<semaphore_mem>>)
    %mul3A_34 = arith.constant 624 : i32
    %mul3A_35 = arith.muli %arg1, %mul3A_34 : i32
    "tpu.region"() ({
      %run_scoped3A = tpu.sem_alloc : memref<!tpu.dma_semaphore, #tpu.memory_space<semaphore_mem>>
      %dma_start3A_128 = arith.constant 0 : i32
      %dma_start3A_129 = tpu.memref_slice %arg12[%mul3A_35, %dma_start3A_128] : memref<10000x128xf32, #tpu.memory_space<vmem_shared>> -> memref<624x128xf32, #tpu.memory_space<vmem_shared>>
      tpu.enqueue_dma source(%arg5 : memref<624x128xf32, #tpu.memory_space<hbm>>) target(%dma_start3A_129 : memref<624x128xf32, #tpu.memory_space<vmem_shared>>) target_semaphore(%run_scoped3A : memref<!tpu.dma_semaphore, #tpu.memory_space<semaphore_mem>>)
      %dma_wait3A_130 = arith.constant 0 : i32
      %dma_wait3A_131 = tpu.memref_slice %arg12[%mul3A_35, %dma_wait3A_130] : memref<10000x128xf32, #tpu.memory_space<vmem_shared>> -> memref<624x128xf32, #tpu.memory_space<vmem_shared>>
      tpu.wait_dma2 semaphore(%run_scoped3A : memref<!tpu.dma_semaphore, #tpu.memory_space<semaphore_mem>>) src(%arg5 : memref<624x128xf32, #tpu.memory_space<hbm>>) dst(%dma_wait3A_131 : memref<624x128xf32, #tpu.memory_space<vmem_shared>>)
      tpu.yield
    }) : () -> ()
    %eq3A = arith.constant 15 : i32
    %eq3A_36 = arith.cmpi eq, %arg1, %eq3A : i32
    %convert_element_type3A = arith.extui %eq3A_36 : i1 to i32
    %cond3A = arith.constant 0 : i32
    %cond3A_37 = arith.cmpi ne, %convert_element_type3A, %cond3A : i32
    scf.if %cond3A_37 {
      "tpu.region"() ({
        %run_scoped3A = tpu.sem_alloc : memref<!tpu.dma_semaphore, #tpu.memory_space<semaphore_mem>>
        %dma_start3A_128 = arith.constant 9984 : i32
        %dma_start3A_129 = arith.constant 0 : i32
        %dma_start3A_130 = tpu.memref_slice %arg12[%dma_start3A_128, %dma_start3A_129] : memref<10000x128xf32, #tpu.memory_space<vmem_shared>> -> memref<16x128xf32, #tpu.memory_space<vmem_shared>>
        %dma_start3A_131 = arith.constant 0 : i32
        %dma_start3A_132 = arith.constant 0 : i32
        %dma_start3A_133 = tpu.memref_slice %arg5[%dma_start3A_131, %dma_start3A_132] : memref<624x128xf32, #tpu.memory_space<hbm>> -> memref<16x128xf32, #tpu.memory_space<hbm>>
        tpu.enqueue_dma source(%dma_start3A_133 : memref<16x128xf32, #tpu.memory_space<hbm>>) target(%dma_start3A_130 : memref<16x128xf32, #tpu.memory_space<vmem_shared>>) target_semaphore(%run_scoped3A : memref<!tpu.dma_semaphore, #tpu.memory_space<semaphore_mem>>)
        %dma_wait3A_134 = arith.constant 9984 : i32
        %dma_wait3A_135 = arith.constant 0 : i32
        %dma_wait3A_136 = tpu.memref_slice %arg12[%dma_wait3A_134, %dma_wait3A_135] : memref<10000x128xf32, #tpu.memory_space<vmem_shared>> -> memref<16x128xf32, #tpu.memory_space<vmem_shared>>
        %dma_wait3A_137 = arith.constant 0 : i32
        %dma_wait3A_138 = arith.constant 0 : i32
        %dma_wait3A_139 = tpu.memref_slice %arg5[%dma_wait3A_137, %dma_wait3A_138] : memref<624x128xf32, #tpu.memory_space<hbm>> -> memref<16x128xf32, #tpu.memory_space<hbm>>
        tpu.wait_dma2 semaphore(%run_scoped3A : memref<!tpu.dma_semaphore, #tpu.memory_space<semaphore_mem>>) src(%dma_wait3A_139 : memref<16x128xf32, #tpu.memory_space<hbm>>) dst(%dma_wait3A_136 : memref<16x128xf32, #tpu.memory_space<vmem_shared>>)
        tpu.yield
      }) : () -> ()
    } else {
    }
    %barrier3A = arith.constant 0 : index
    tpu.barrier barrier_id(%barrier3A)
    %dma_wait3A = arith.constant 0 : i32
    %dma_wait3A_38 = tpu.memref_slice %arg7[%dma_wait3A] : memref<10000xi32, #tpu.memory_space<vmem>> -> memref<80xi32, #tpu.memory_space<vmem>>
    %dma_wait3A_39 = arith.constant 0 : i32
    %dma_wait3A_40 = arith.constant 0 : i32
    %dma_wait3A_41 = tpu.memref_slice %arg2[%dma_wait3A_39, %dma_wait3A_40] : memref<10000x128xf32, #tpu.memory_space<hbm>> -> memref<10000x128xf32, #tpu.memory_space<hbm>>
    tpu.wait_indirect_dma semaphore(%arg13 : memref<!tpu.dma_semaphore, #tpu.memory_space<semaphore_mem>>) src(%dma_wait3A_41 : memref<10000x128xf32, #tpu.memory_space<hbm>>) dst(%arg9 : memref<80x128xf32, #tpu.memory_space<vmem>>)
    %add3A_42 = arith.constant 0 : i32
    %add3A_43 = arith.addi %mul3A_2, %add3A_42 : i32
    %dma_wait3A_44 = arith.constant 0 : i32
    %dma_wait3A_45 = arith.constant 0 : i32
    %dma_wait3A_46 = tpu.memref_slice %arg8[%dma_wait3A_44, %dma_wait3A_45] : memref<24x80xi32, #tpu.memory_space<vmem>> -> memref<1x80xi32, #tpu.memory_space<vmem>>
    %dma_wait3A_47 = tpu.memref_squeeze %dma_wait3A_46 : memref<1x80xi32, #tpu.memory_space<vmem>> -> memref<80xi32, #tpu.memory_space<vmem>>
    %dma_wait3A_48 = tpu.memref_slice %arg4[%add3A_43] : memref<320000xi32, #tpu.memory_space<hbm>> -> memref<80xi32, #tpu.memory_space<hbm>>
    %dma_wait3A_49 = arith.constant 0 : i32
    %dma_wait3A_50 = tpu.memref_slice %arg8[%dma_wait3A_44, %dma_wait3A_49] : memref<24x80xi32, #tpu.memory_space<vmem>> -> memref<1x80xi32, #tpu.memory_space<vmem>>
    %dma_wait3A_51 = tpu.memref_squeeze %dma_wait3A_50 : memref<1x80xi32, #tpu.memory_space<vmem>> -> memref<80xi32, #tpu.memory_space<vmem>>
    %dma_wait3A_52 = tpu.memref_slice %arg4[%add3A_43] : memref<320000xi32, #tpu.memory_space<hbm>> -> memref<80xi32, #tpu.memory_space<hbm>>
    tpu.wait_dma2 semaphore(%arg15 : memref<!tpu.dma_semaphore, #tpu.memory_space<semaphore_mem>>) src(%dma_wait3A_52 : memref<80xi32, #tpu.memory_space<hbm>>) dst(%dma_wait3A_51 : memref<80xi32, #tpu.memory_space<vmem>>)
    %dma_start3A_53 = arith.constant 0 : i32
    %dma_start3A_54 = arith.constant 0 : i32
    %dma_start3A_55 = tpu.memref_slice %arg8[%dma_start3A_53, %dma_start3A_54] : memref<24x80xi32, #tpu.memory_space<vmem>> -> memref<1x80xi32, #tpu.memory_space<vmem>>
    %dma_start3A_56 = tpu.memref_squeeze %dma_start3A_55 : memref<1x80xi32, #tpu.memory_space<vmem>> -> memref<80xi32, #tpu.memory_space<vmem>>
    %dma_start3A_57 = arith.constant 0 : i32
    %dma_start3A_58 = arith.constant 0 : i32
    %dma_start3A_59 = tpu.memref_slice %arg12[%dma_start3A_57, %dma_start3A_58] : memref<10000x128xf32, #tpu.memory_space<vmem_shared>> -> memref<10000x128xf32, #tpu.memory_space<vmem_shared>>
    tpu.enqueue_indirect_dma source(%arg9 : memref<80x128xf32, #tpu.memory_space<vmem>>) target(%dma_start3A_59 : memref<10000x128xf32, #tpu.memory_space<vmem_shared>>) offsets(%dma_start3A_56 : memref<80xi32, #tpu.memory_space<vmem>>) semaphore(%arg14 : memref<!tpu.dma_semaphore, #tpu.memory_space<semaphore_mem>>) {add = true}
    %add3A_60 = arith.constant 160 : i32
    %add3A_61 = arith.addi %mul3A_2, %add3A_60 : i32
    %dma_start3A_62 = arith.constant 16 : i32
    %dma_start3A_63 = arith.constant 0 : i32
    %dma_start3A_64 = tpu.memref_slice %arg8[%dma_start3A_62, %dma_start3A_63] : memref<24x80xi32, #tpu.memory_space<vmem>> -> memref<1x80xi32, #tpu.memory_space<vmem>>
    %dma_start3A_65 = tpu.memref_squeeze %dma_start3A_64 : memref<1x80xi32, #tpu.memory_space<vmem>> -> memref<80xi32, #tpu.memory_space<vmem>>
    %dma_start3A_66 = tpu.memref_slice %arg4[%add3A_61] : memref<320000xi32, #tpu.memory_space<hbm>> -> memref<80xi32, #tpu.memory_space<hbm>>
    %dma_start3A_67 = arith.constant 0 : i32
    %dma_start3A_68 = tpu.memref_slice %arg8[%dma_start3A_62, %dma_start3A_67] : memref<24x80xi32, #tpu.memory_space<vmem>> -> memref<1x80xi32, #tpu.memory_space<vmem>>
    %dma_start3A_69 = tpu.memref_squeeze %dma_start3A_68 : memref<1x80xi32, #tpu.memory_space<vmem>> -> memref<80xi32, #tpu.memory_space<vmem>>
    %dma_start3A_70 = tpu.memref_slice %arg4[%add3A_61] : memref<320000xi32, #tpu.memory_space<hbm>> -> memref<80xi32, #tpu.memory_space<hbm>>
    tpu.enqueue_dma source(%dma_start3A_70 : memref<80xi32, #tpu.memory_space<hbm>>) target(%dma_start3A_69 : memref<80xi32, #tpu.memory_space<vmem>>) target_semaphore(%arg15 : memref<!tpu.dma_semaphore, #tpu.memory_space<semaphore_mem>>)
    %dma_start3A_71 = arith.constant 160 : i32
    %dma_start3A_72 = tpu.memref_slice %arg7[%dma_start3A_71] : memref<10000xi32, #tpu.memory_space<vmem>> -> memref<80xi32, #tpu.memory_space<vmem>>
    %dma_start3A_73 = arith.constant 0 : i32
    %dma_start3A_74 = arith.constant 0 : i32
    %dma_start3A_75 = tpu.memref_slice %arg2[%dma_start3A_73, %dma_start3A_74] : memref<10000x128xf32, #tpu.memory_space<hbm>> -> memref<10000x128xf32, #tpu.memory_space<hbm>>
    tpu.enqueue_indirect_dma source(%dma_start3A_75 : memref<10000x128xf32, #tpu.memory_space<hbm>>) target(%arg11 : memref<80x128xf32, #tpu.memory_space<vmem>>) offsets(%dma_start3A_72 : memref<80xi32, #tpu.memory_space<vmem>>) semaphore(%arg13 : memref<!tpu.dma_semaphore, #tpu.memory_space<semaphore_mem>>)
    %scan3A = arith.constant 0 : i32
    %scan3A_76 = arith.constant 0 : i32
    %scan3A_77 = arith.constant 41 : i32
    %scan3A_78 = arith.addi %scan3A_76, %scan3A_77 : i32
    %scan3A_79 = arith.constant 1 : i32
    scf.for %scan3A_128 = %scan3A_76 to %scan3A_78 step %scan3A_79  : i32 {
      %mul3A_129 = arith.constant 3 : i32
      %mul3A_130 = arith.muli %mul3A_129, %scan3A_128 : i32
      %add3A_131 = arith.constant 1 : i32
      %add3A_132 = arith.addi %mul3A_130, %add3A_131 : i32
      %mul3A_133 = arith.constant 80 : i32
      %mul3A_134 = arith.muli %add3A_132, %mul3A_133 : i32
      %dma_wait3A_135 = tpu.memref_slice %arg7[%mul3A_134] : memref<10000xi32, #tpu.memory_space<vmem>> -> memref<80xi32, #tpu.memory_space<vmem>>
      %dma_wait3A_136 = arith.constant 0 : i32
      %dma_wait3A_137 = arith.constant 0 : i32
      %dma_wait3A_138 = tpu.memref_slice %arg2[%dma_wait3A_136, %dma_wait3A_137] : memref<10000x128xf32, #tpu.memory_space<hbm>> -> memref<10000x128xf32, #tpu.memory_space<hbm>>
      tpu.wait_indirect_dma semaphore(%arg13 : memref<!tpu.dma_semaphore, #tpu.memory_space<semaphore_mem>>) src(%dma_wait3A_138 : memref<10000x128xf32, #tpu.memory_space<hbm>>) dst(%arg10 : memref<80x128xf32, #tpu.memory_space<vmem>>)
      %mul3A_139 = arith.constant 80 : i32
      %mul3A_140 = arith.muli %add3A_132, %mul3A_139 : i32
      %add3A_141 = arith.addi %mul3A_2, %mul3A_140 : i32
      %dma_wait3A_142 = arith.constant 8 : i32
      %dma_wait3A_143 = arith.constant 0 : i32
      %dma_wait3A_144 = tpu.memref_slice %arg8[%dma_wait3A_142, %dma_wait3A_143] : memref<24x80xi32, #tpu.memory_space<vmem>> -> memref<1x80xi32, #tpu.memory_space<vmem>>
      %dma_wait3A_145 = tpu.memref_squeeze %dma_wait3A_144 : memref<1x80xi32, #tpu.memory_space<vmem>> -> memref<80xi32, #tpu.memory_space<vmem>>
      %dma_wait3A_146 = tpu.memref_slice %arg4[%add3A_141] : memref<320000xi32, #tpu.memory_space<hbm>> -> memref<80xi32, #tpu.memory_space<hbm>>
      %dma_wait3A_147 = arith.constant 0 : i32
      %dma_wait3A_148 = tpu.memref_slice %arg8[%dma_wait3A_142, %dma_wait3A_147] : memref<24x80xi32, #tpu.memory_space<vmem>> -> memref<1x80xi32, #tpu.memory_space<vmem>>
      %dma_wait3A_149 = tpu.memref_squeeze %dma_wait3A_148 : memref<1x80xi32, #tpu.memory_space<vmem>> -> memref<80xi32, #tpu.memory_space<vmem>>
      %dma_wait3A_150 = tpu.memref_slice %arg4[%add3A_141] : memref<320000xi32, #tpu.memory_space<hbm>> -> memref<80xi32, #tpu.memory_space<hbm>>
      tpu.wait_dma2 semaphore(%arg15 : memref<!tpu.dma_semaphore, #tpu.memory_space<semaphore_mem>>) src(%dma_wait3A_150 : memref<80xi32, #tpu.memory_space<hbm>>) dst(%dma_wait3A_149 : memref<80xi32, #tpu.memory_space<vmem>>)
      %dma_start3A_151 = arith.constant 8 : i32
      %dma_start3A_152 = arith.constant 0 : i32
      %dma_start3A_153 = tpu.memref_slice %arg8[%dma_start3A_151, %dma_start3A_152] : memref<24x80xi32, #tpu.memory_space<vmem>> -> memref<1x80xi32, #tpu.memory_space<vmem>>
      %dma_start3A_154 = tpu.memref_squeeze %dma_start3A_153 : memref<1x80xi32, #tpu.memory_space<vmem>> -> memref<80xi32, #tpu.memory_space<vmem>>
      %dma_start3A_155 = arith.constant 0 : i32
      %dma_start3A_156 = arith.constant 0 : i32
      %dma_start3A_157 = tpu.memref_slice %arg12[%dma_start3A_155, %dma_start3A_156] : memref<10000x128xf32, #tpu.memory_space<vmem_shared>> -> memref<10000x128xf32, #tpu.memory_space<vmem_shared>>
      tpu.enqueue_indirect_dma source(%arg10 : memref<80x128xf32, #tpu.memory_space<vmem>>) target(%dma_start3A_157 : memref<10000x128xf32, #tpu.memory_space<vmem_shared>>) offsets(%dma_start3A_154 : memref<80xi32, #tpu.memory_space<vmem>>) semaphore(%arg14 : memref<!tpu.dma_semaphore, #tpu.memory_space<semaphore_mem>>) {add = true}
      %sub3A = arith.constant 1 : i32
      %sub3A_158 = arith.subi %add3A_132, %sub3A : i32
      %dma_wait3A_159 = arith.constant 0 : i32
      %dma_wait3A_160 = arith.constant 0 : i32
      %dma_wait3A_161 = tpu.memref_slice %arg8[%dma_wait3A_159, %dma_wait3A_160] : memref<24x80xi32, #tpu.memory_space<vmem>> -> memref<1x80xi32, #tpu.memory_space<vmem>>
      %dma_wait3A_162 = tpu.memref_squeeze %dma_wait3A_161 : memref<1x80xi32, #tpu.memory_space<vmem>> -> memref<80xi32, #tpu.memory_space<vmem>>
      %dma_wait3A_163 = arith.constant 0 : i32
      %dma_wait3A_164 = arith.constant 0 : i32
      %dma_wait3A_165 = tpu.memref_slice %arg12[%dma_wait3A_163, %dma_wait3A_164] : memref<10000x128xf32, #tpu.memory_space<vmem_shared>> -> memref<10000x128xf32, #tpu.memory_space<vmem_shared>>
      tpu.wait_indirect_dma semaphore(%arg14 : memref<!tpu.dma_semaphore, #tpu.memory_space<semaphore_mem>>) src(%arg9 : memref<80x128xf32, #tpu.memory_space<vmem>>) dst(%dma_wait3A_165 : memref<10000x128xf32, #tpu.memory_space<vmem_shared>>)
      %add3A_166 = arith.constant 2 : i32
      %add3A_167 = arith.addi %add3A_132, %add3A_166 : i32
      %lt3A = arith.constant 125 : i32
      %lt3A_168 = arith.cmpi slt, %add3A_167, %lt3A : i32
      %convert_element_type3A_169 = arith.extui %lt3A_168 : i1 to i32
      %cond3A_170 = arith.constant 0 : i32
      %cond3A_171 = arith.cmpi ne, %convert_element_type3A_169, %cond3A_170 : i32
      scf.if %cond3A_171 {
        %add3A_258 = arith.constant 2 : i32
        %add3A_259 = arith.addi %add3A_132, %add3A_258 : i32
        %mul3A_260 = arith.constant 80 : i32
        %mul3A_261 = arith.muli %add3A_259, %mul3A_260 : i32
        %add3A_262 = arith.addi %mul3A_2, %mul3A_261 : i32
        %dma_start3A_263 = arith.constant 0 : i32
        %dma_start3A_264 = arith.constant 0 : i32
        %dma_start3A_265 = tpu.memref_slice %arg8[%dma_start3A_263, %dma_start3A_264] : memref<24x80xi32, #tpu.memory_space<vmem>> -> memref<1x80xi32, #tpu.memory_space<vmem>>
        %dma_start3A_266 = tpu.memref_squeeze %dma_start3A_265 : memref<1x80xi32, #tpu.memory_space<vmem>> -> memref<80xi32, #tpu.memory_space<vmem>>
        %dma_start3A_267 = tpu.memref_slice %arg4[%add3A_262] : memref<320000xi32, #tpu.memory_space<hbm>> -> memref<80xi32, #tpu.memory_space<hbm>>
        %dma_start3A_268 = arith.constant 0 : i32
        %dma_start3A_269 = tpu.memref_slice %arg8[%dma_start3A_263, %dma_start3A_268] : memref<24x80xi32, #tpu.memory_space<vmem>> -> memref<1x80xi32, #tpu.memory_space<vmem>>
        %dma_start3A_270 = tpu.memref_squeeze %dma_start3A_269 : memref<1x80xi32, #tpu.memory_space<vmem>> -> memref<80xi32, #tpu.memory_space<vmem>>
        %dma_start3A_271 = tpu.memref_slice %arg4[%add3A_262] : memref<320000xi32, #tpu.memory_space<hbm>> -> memref<80xi32, #tpu.memory_space<hbm>>
        tpu.enqueue_dma source(%dma_start3A_271 : memref<80xi32, #tpu.memory_space<hbm>>) target(%dma_start3A_270 : memref<80xi32, #tpu.memory_space<vmem>>) target_semaphore(%arg15 : memref<!tpu.dma_semaphore, #tpu.memory_space<semaphore_mem>>)
        %add3A_272 = arith.constant 2 : i32
        %add3A_273 = arith.addi %add3A_132, %add3A_272 : i32
        %mul3A_274 = arith.constant 80 : i32
        %mul3A_275 = arith.muli %add3A_273, %mul3A_274 : i32
        %dma_start3A_276 = tpu.memref_slice %arg7[%mul3A_275] : memref<10000xi32, #tpu.memory_space<vmem>> -> memref<80xi32, #tpu.memory_space<vmem>>
        %dma_start3A_277 = arith.constant 0 : i32
        %dma_start3A_278 = arith.constant 0 : i32
        %dma_start3A_279 = tpu.memref_slice %arg2[%dma_start3A_277, %dma_start3A_278] : memref<10000x128xf32, #tpu.memory_space<hbm>> -> memref<10000x128xf32, #tpu.memory_space<hbm>>
        tpu.enqueue_indirect_dma source(%dma_start3A_279 : memref<10000x128xf32, #tpu.memory_space<hbm>>) target(%arg9 : memref<80x128xf32, #tpu.memory_space<vmem>>) offsets(%dma_start3A_276 : memref<80xi32, #tpu.memory_space<vmem>>) semaphore(%arg13 : memref<!tpu.dma_semaphore, #tpu.memory_space<semaphore_mem>>)
      } else {
      }
      %add3A_172 = arith.constant 2 : i32
      %add3A_173 = arith.addi %mul3A_130, %add3A_172 : i32
      %mul3A_174 = arith.constant 80 : i32
      %mul3A_175 = arith.muli %add3A_173, %mul3A_174 : i32
      %dma_wait3A_176 = tpu.memref_slice %arg7[%mul3A_175] : memref<10000xi32, #tpu.memory_space<vmem>> -> memref<80xi32, #tpu.memory_space<vmem>>
      %dma_wait3A_177 = arith.constant 0 : i32
      %dma_wait3A_178 = arith.constant 0 : i32
      %dma_wait3A_179 = tpu.memref_slice %arg2[%dma_wait3A_177, %dma_wait3A_178] : memref<10000x128xf32, #tpu.memory_space<hbm>> -> memref<10000x128xf32, #tpu.memory_space<hbm>>
      tpu.wait_indirect_dma semaphore(%arg13 : memref<!tpu.dma_semaphore, #tpu.memory_space<semaphore_mem>>) src(%dma_wait3A_179 : memref<10000x128xf32, #tpu.memory_space<hbm>>) dst(%arg11 : memref<80x128xf32, #tpu.memory_space<vmem>>)
      %mul3A_180 = arith.constant 80 : i32
      %mul3A_181 = arith.muli %add3A_173, %mul3A_180 : i32
      %add3A_182 = arith.addi %mul3A_2, %mul3A_181 : i32
      %dma_wait3A_183 = arith.constant 16 : i32
      %dma_wait3A_184 = arith.constant 0 : i32
      %dma_wait3A_185 = tpu.memref_slice %arg8[%dma_wait3A_183, %dma_wait3A_184] : memref<24x80xi32, #tpu.memory_space<vmem>> -> memref<1x80xi32, #tpu.memory_space<vmem>>
      %dma_wait3A_186 = tpu.memref_squeeze %dma_wait3A_185 : memref<1x80xi32, #tpu.memory_space<vmem>> -> memref<80xi32, #tpu.memory_space<vmem>>
      %dma_wait3A_187 = tpu.memref_slice %arg4[%add3A_182] : memref<320000xi32, #tpu.memory_space<hbm>> -> memref<80xi32, #tpu.memory_space<hbm>>
      %dma_wait3A_188 = arith.constant 0 : i32
      %dma_wait3A_189 = tpu.memref_slice %arg8[%dma_wait3A_183, %dma_wait3A_188] : memref<24x80xi32, #tpu.memory_space<vmem>> -> memref<1x80xi32, #tpu.memory_space<vmem>>
      %dma_wait3A_190 = tpu.memref_squeeze %dma_wait3A_189 : memref<1x80xi32, #tpu.memory_space<vmem>> -> memref<80xi32, #tpu.memory_space<vmem>>
      %dma_wait3A_191 = tpu.memref_slice %arg4[%add3A_182] : memref<320000xi32, #tpu.memory_space<hbm>> -> memref<80xi32, #tpu.memory_space<hbm>>
      tpu.wait_dma2 semaphore(%arg15 : memref<!tpu.dma_semaphore, #tpu.memory_space<semaphore_mem>>) src(%dma_wait3A_191 : memref<80xi32, #tpu.memory_space<hbm>>) dst(%dma_wait3A_190 : memref<80xi32, #tpu.memory_space<vmem>>)
      %dma_start3A_192 = arith.constant 16 : i32
      %dma_start3A_193 = arith.constant 0 : i32
      %dma_start3A_194 = tpu.memref_slice %arg8[%dma_start3A_192, %dma_start3A_193] : memref<24x80xi32, #tpu.memory_space<vmem>> -> memref<1x80xi32, #tpu.memory_space<vmem>>
      %dma_start3A_195 = tpu.memref_squeeze %dma_start3A_194 : memref<1x80xi32, #tpu.memory_space<vmem>> -> memref<80xi32, #tpu.memory_space<vmem>>
      %dma_start3A_196 = arith.constant 0 : i32
      %dma_start3A_197 = arith.constant 0 : i32
      %dma_start3A_198 = tpu.memref_slice %arg12[%dma_start3A_196, %dma_start3A_197] : memref<10000x128xf32, #tpu.memory_space<vmem_shared>> -> memref<10000x128xf32, #tpu.memory_space<vmem_shared>>
      tpu.enqueue_indirect_dma source(%arg11 : memref<80x128xf32, #tpu.memory_space<vmem>>) target(%dma_start3A_198 : memref<10000x128xf32, #tpu.memory_space<vmem_shared>>) offsets(%dma_start3A_195 : memref<80xi32, #tpu.memory_space<vmem>>) semaphore(%arg14 : memref<!tpu.dma_semaphore, #tpu.memory_space<semaphore_mem>>) {add = true}
      %sub3A_199 = arith.constant 1 : i32
      %sub3A_200 = arith.subi %add3A_173, %sub3A_199 : i32
      %dma_wait3A_201 = arith.constant 8 : i32
      %dma_wait3A_202 = arith.constant 0 : i32
      %dma_wait3A_203 = tpu.memref_slice %arg8[%dma_wait3A_201, %dma_wait3A_202] : memref<24x80xi32, #tpu.memory_space<vmem>> -> memref<1x80xi32, #tpu.memory_space<vmem>>
      %dma_wait3A_204 = tpu.memref_squeeze %dma_wait3A_203 : memref<1x80xi32, #tpu.memory_space<vmem>> -> memref<80xi32, #tpu.memory_space<vmem>>
      %dma_wait3A_205 = arith.constant 0 : i32
      %dma_wait3A_206 = arith.constant 0 : i32
      %dma_wait3A_207 = tpu.memref_slice %arg12[%dma_wait3A_205, %dma_wait3A_206] : memref<10000x128xf32, #tpu.memory_space<vmem_shared>> -> memref<10000x128xf32, #tpu.memory_space<vmem_shared>>
      tpu.wait_indirect_dma semaphore(%arg14 : memref<!tpu.dma_semaphore, #tpu.memory_space<semaphore_mem>>) src(%arg10 : memref<80x128xf32, #tpu.memory_space<vmem>>) dst(%dma_wait3A_207 : memref<10000x128xf32, #tpu.memory_space<vmem_shared>>)
      %add3A_208 = arith.constant 2 : i32
      %add3A_209 = arith.addi %add3A_173, %add3A_208 : i32
      %lt3A_210 = arith.constant 125 : i32
      %lt3A_211 = arith.cmpi slt, %add3A_209, %lt3A_210 : i32
      %convert_element_type3A_212 = arith.extui %lt3A_211 : i1 to i32
      %cond3A_213 = arith.constant 0 : i32
      %cond3A_214 = arith.cmpi ne, %convert_element_type3A_212, %cond3A_213 : i32
      scf.if %cond3A_214 {
        %add3A_258 = arith.constant 2 : i32
        %add3A_259 = arith.addi %add3A_173, %add3A_258 : i32
        %mul3A_260 = arith.constant 80 : i32
        %mul3A_261 = arith.muli %add3A_259, %mul3A_260 : i32
        %add3A_262 = arith.addi %mul3A_2, %mul3A_261 : i32
        %dma_start3A_263 = arith.constant 8 : i32
        %dma_start3A_264 = arith.constant 0 : i32
        %dma_start3A_265 = tpu.memref_slice %arg8[%dma_start3A_263, %dma_start3A_264] : memref<24x80xi32, #tpu.memory_space<vmem>> -> memref<1x80xi32, #tpu.memory_space<vmem>>
        %dma_start3A_266 = tpu.memref_squeeze %dma_start3A_265 : memref<1x80xi32, #tpu.memory_space<vmem>> -> memref<80xi32, #tpu.memory_space<vmem>>
        %dma_start3A_267 = tpu.memref_slice %arg4[%add3A_262] : memref<320000xi32, #tpu.memory_space<hbm>> -> memref<80xi32, #tpu.memory_space<hbm>>
        %dma_start3A_268 = arith.constant 0 : i32
        %dma_start3A_269 = tpu.memref_slice %arg8[%dma_start3A_263, %dma_start3A_268] : memref<24x80xi32, #tpu.memory_space<vmem>> -> memref<1x80xi32, #tpu.memory_space<vmem>>
        %dma_start3A_270 = tpu.memref_squeeze %dma_start3A_269 : memref<1x80xi32, #tpu.memory_space<vmem>> -> memref<80xi32, #tpu.memory_space<vmem>>
        %dma_start3A_271 = tpu.memref_slice %arg4[%add3A_262] : memref<320000xi32, #tpu.memory_space<hbm>> -> memref<80xi32, #tpu.memory_space<hbm>>
        tpu.enqueue_dma source(%dma_start3A_271 : memref<80xi32, #tpu.memory_space<hbm>>) target(%dma_start3A_270 : memref<80xi32, #tpu.memory_space<vmem>>) target_semaphore(%arg15 : memref<!tpu.dma_semaphore, #tpu.memory_space<semaphore_mem>>)
        %add3A_272 = arith.constant 2 : i32
        %add3A_273 = arith.addi %add3A_173, %add3A_272 : i32
        %mul3A_274 = arith.constant 80 : i32
        %mul3A_275 = arith.muli %add3A_273, %mul3A_274 : i32
        %dma_start3A_276 = tpu.memref_slice %arg7[%mul3A_275] : memref<10000xi32, #tpu.memory_space<vmem>> -> memref<80xi32, #tpu.memory_space<vmem>>
        %dma_start3A_277 = arith.constant 0 : i32
        %dma_start3A_278 = arith.constant 0 : i32
        %dma_start3A_279 = tpu.memref_slice %arg2[%dma_start3A_277, %dma_start3A_278] : memref<10000x128xf32, #tpu.memory_space<hbm>> -> memref<10000x128xf32, #tpu.memory_space<hbm>>
        tpu.enqueue_indirect_dma source(%dma_start3A_279 : memref<10000x128xf32, #tpu.memory_space<hbm>>) target(%arg10 : memref<80x128xf32, #tpu.memory_space<vmem>>) offsets(%dma_start3A_276 : memref<80xi32, #tpu.memory_space<vmem>>) semaphore(%arg13 : memref<!tpu.dma_semaphore, #tpu.memory_space<semaphore_mem>>)
      } else {
      }
      %add3A_215 = arith.constant 3 : i32
      %add3A_216 = arith.addi %mul3A_130, %add3A_215 : i32
      %mul3A_217 = arith.constant 80 : i32
      %mul3A_218 = arith.muli %add3A_216, %mul3A_217 : i32
      %dma_wait3A_219 = tpu.memref_slice %arg7[%mul3A_218] : memref<10000xi32, #tpu.memory_space<vmem>> -> memref<80xi32, #tpu.memory_space<vmem>>
      %dma_wait3A_220 = arith.constant 0 : i32
      %dma_wait3A_221 = arith.constant 0 : i32
      %dma_wait3A_222 = tpu.memref_slice %arg2[%dma_wait3A_220, %dma_wait3A_221] : memref<10000x128xf32, #tpu.memory_space<hbm>> -> memref<10000x128xf32, #tpu.memory_space<hbm>>
      tpu.wait_indirect_dma semaphore(%arg13 : memref<!tpu.dma_semaphore, #tpu.memory_space<semaphore_mem>>) src(%dma_wait3A_222 : memref<10000x128xf32, #tpu.memory_space<hbm>>) dst(%arg9 : memref<80x128xf32, #tpu.memory_space<vmem>>)
      %mul3A_223 = arith.constant 80 : i32
      %mul3A_224 = arith.muli %add3A_216, %mul3A_223 : i32
      %add3A_225 = arith.addi %mul3A_2, %mul3A_224 : i32
      %dma_wait3A_226 = arith.constant 0 : i32
      %dma_wait3A_227 = arith.constant 0 : i32
      %dma_wait3A_228 = tpu.memref_slice %arg8[%dma_wait3A_226, %dma_wait3A_227] : memref<24x80xi32, #tpu.memory_space<vmem>> -> memref<1x80xi32, #tpu.memory_space<vmem>>
      %dma_wait3A_229 = tpu.memref_squeeze %dma_wait3A_228 : memref<1x80xi32, #tpu.memory_space<vmem>> -> memref<80xi32, #tpu.memory_space<vmem>>
      %dma_wait3A_230 = tpu.memref_slice %arg4[%add3A_225] : memref<320000xi32, #tpu.memory_space<hbm>> -> memref<80xi32, #tpu.memory_space<hbm>>
      %dma_wait3A_231 = arith.constant 0 : i32
      %dma_wait3A_232 = tpu.memref_slice %arg8[%dma_wait3A_226, %dma_wait3A_231] : memref<24x80xi32, #tpu.memory_space<vmem>> -> memref<1x80xi32, #tpu.memory_space<vmem>>
      %dma_wait3A_233 = tpu.memref_squeeze %dma_wait3A_232 : memref<1x80xi32, #tpu.memory_space<vmem>> -> memref<80xi32, #tpu.memory_space<vmem>>
      %dma_wait3A_234 = tpu.memref_slice %arg4[%add3A_225] : memref<320000xi32, #tpu.memory_space<hbm>> -> memref<80xi32, #tpu.memory_space<hbm>>
      tpu.wait_dma2 semaphore(%arg15 : memref<!tpu.dma_semaphore, #tpu.memory_space<semaphore_mem>>) src(%dma_wait3A_234 : memref<80xi32, #tpu.memory_space<hbm>>) dst(%dma_wait3A_233 : memref<80xi32, #tpu.memory_space<vmem>>)
      %dma_start3A_235 = arith.constant 0 : i32
      %dma_start3A_236 = arith.constant 0 : i32
      %dma_start3A_237 = tpu.memref_slice %arg8[%dma_start3A_235, %dma_start3A_236] : memref<24x80xi32, #tpu.memory_space<vmem>> -> memref<1x80xi32, #tpu.memory_space<vmem>>
      %dma_start3A_238 = tpu.memref_squeeze %dma_start3A_237 : memref<1x80xi32, #tpu.memory_space<vmem>> -> memref<80xi32, #tpu.memory_space<vmem>>
      %dma_start3A_239 = arith.constant 0 : i32
      %dma_start3A_240 = arith.constant 0 : i32
      %dma_start3A_241 = tpu.memref_slice %arg12[%dma_start3A_239, %dma_start3A_240] : memref<10000x128xf32, #tpu.memory_space<vmem_shared>> -> memref<10000x128xf32, #tpu.memory_space<vmem_shared>>
      tpu.enqueue_indirect_dma source(%arg9 : memref<80x128xf32, #tpu.memory_space<vmem>>) target(%dma_start3A_241 : memref<10000x128xf32, #tpu.memory_space<vmem_shared>>) offsets(%dma_start3A_238 : memref<80xi32, #tpu.memory_space<vmem>>) semaphore(%arg14 : memref<!tpu.dma_semaphore, #tpu.memory_space<semaphore_mem>>) {add = true}
      %sub3A_242 = arith.constant 1 : i32
      %sub3A_243 = arith.subi %add3A_216, %sub3A_242 : i32
      %dma_wait3A_244 = arith.constant 16 : i32
      %dma_wait3A_245 = arith.constant 0 : i32
      %dma_wait3A_246 = tpu.memref_slice %arg8[%dma_wait3A_244, %dma_wait3A_245] : memref<24x80xi32, #tpu.memory_space<vmem>> -> memref<1x80xi32, #tpu.memory_space<vmem>>
      %dma_wait3A_247 = tpu.memref_squeeze %dma_wait3A_246 : memref<1x80xi32, #tpu.memory_space<vmem>> -> memref<80xi32, #tpu.memory_space<vmem>>
      %dma_wait3A_248 = arith.constant 0 : i32
      %dma_wait3A_249 = arith.constant 0 : i32
      %dma_wait3A_250 = tpu.memref_slice %arg12[%dma_wait3A_248, %dma_wait3A_249] : memref<10000x128xf32, #tpu.memory_space<vmem_shared>> -> memref<10000x128xf32, #tpu.memory_space<vmem_shared>>
      tpu.wait_indirect_dma semaphore(%arg14 : memref<!tpu.dma_semaphore, #tpu.memory_space<semaphore_mem>>) src(%arg11 : memref<80x128xf32, #tpu.memory_space<vmem>>) dst(%dma_wait3A_250 : memref<10000x128xf32, #tpu.memory_space<vmem_shared>>)
      %add3A_251 = arith.constant 2 : i32
      %add3A_252 = arith.addi %add3A_216, %add3A_251 : i32
      %lt3A_253 = arith.constant 125 : i32
      %lt3A_254 = arith.cmpi slt, %add3A_252, %lt3A_253 : i32
      %convert_element_type3A_255 = arith.extui %lt3A_254 : i1 to i32
      %cond3A_256 = arith.constant 0 : i32
      %cond3A_257 = arith.cmpi ne, %convert_element_type3A_255, %cond3A_256 : i32
      scf.if %cond3A_257 {
        %add3A_258 = arith.constant 2 : i32
        %add3A_259 = arith.addi %add3A_216, %add3A_258 : i32
        %mul3A_260 = arith.constant 80 : i32
        %mul3A_261 = arith.muli %add3A_259, %mul3A_260 : i32
        %add3A_262 = arith.addi %mul3A_2, %mul3A_261 : i32
        %dma_start3A_263 = arith.constant 16 : i32
        %dma_start3A_264 = arith.constant 0 : i32
        %dma_start3A_265 = tpu.memref_slice %arg8[%dma_start3A_263, %dma_start3A_264] : memref<24x80xi32, #tpu.memory_space<vmem>> -> memref<1x80xi32, #tpu.memory_space<vmem>>
        %dma_start3A_266 = tpu.memref_squeeze %dma_start3A_265 : memref<1x80xi32, #tpu.memory_space<vmem>> -> memref<80xi32, #tpu.memory_space<vmem>>
        %dma_start3A_267 = tpu.memref_slice %arg4[%add3A_262] : memref<320000xi32, #tpu.memory_space<hbm>> -> memref<80xi32, #tpu.memory_space<hbm>>
        %dma_start3A_268 = arith.constant 0 : i32
        %dma_start3A_269 = tpu.memref_slice %arg8[%dma_start3A_263, %dma_start3A_268] : memref<24x80xi32, #tpu.memory_space<vmem>> -> memref<1x80xi32, #tpu.memory_space<vmem>>
        %dma_start3A_270 = tpu.memref_squeeze %dma_start3A_269 : memref<1x80xi32, #tpu.memory_space<vmem>> -> memref<80xi32, #tpu.memory_space<vmem>>
        %dma_start3A_271 = tpu.memref_slice %arg4[%add3A_262] : memref<320000xi32, #tpu.memory_space<hbm>> -> memref<80xi32, #tpu.memory_space<hbm>>
        tpu.enqueue_dma source(%dma_start3A_271 : memref<80xi32, #tpu.memory_space<hbm>>) target(%dma_start3A_270 : memref<80xi32, #tpu.memory_space<vmem>>) target_semaphore(%arg15 : memref<!tpu.dma_semaphore, #tpu.memory_space<semaphore_mem>>)
        %add3A_272 = arith.constant 2 : i32
        %add3A_273 = arith.addi %add3A_216, %add3A_272 : i32
        %mul3A_274 = arith.constant 80 : i32
        %mul3A_275 = arith.muli %add3A_273, %mul3A_274 : i32
        %dma_start3A_276 = tpu.memref_slice %arg7[%mul3A_275] : memref<10000xi32, #tpu.memory_space<vmem>> -> memref<80xi32, #tpu.memory_space<vmem>>
        %dma_start3A_277 = arith.constant 0 : i32
        %dma_start3A_278 = arith.constant 0 : i32
        %dma_start3A_279 = tpu.memref_slice %arg2[%dma_start3A_277, %dma_start3A_278] : memref<10000x128xf32, #tpu.memory_space<hbm>> -> memref<10000x128xf32, #tpu.memory_space<hbm>>
        tpu.enqueue_indirect_dma source(%dma_start3A_279 : memref<10000x128xf32, #tpu.memory_space<hbm>>) target(%arg11 : memref<80x128xf32, #tpu.memory_space<vmem>>) offsets(%dma_start3A_276 : memref<80xi32, #tpu.memory_space<vmem>>) semaphore(%arg13 : memref<!tpu.dma_semaphore, #tpu.memory_space<semaphore_mem>>)
      } else {
      }
    }
    %scan3A_80 = arith.constant 41 : i32
    %dma_wait3A_81 = arith.constant 9920 : i32
    %dma_wait3A_82 = tpu.memref_slice %arg7[%dma_wait3A_81] : memref<10000xi32, #tpu.memory_space<vmem>> -> memref<80xi32, #tpu.memory_space<vmem>>
    %dma_wait3A_83 = arith.constant 0 : i32
    %dma_wait3A_84 = arith.constant 0 : i32
    %dma_wait3A_85 = tpu.memref_slice %arg2[%dma_wait3A_83, %dma_wait3A_84] : memref<10000x128xf32, #tpu.memory_space<hbm>> -> memref<10000x128xf32, #tpu.memory_space<hbm>>
    tpu.wait_indirect_dma semaphore(%arg13 : memref<!tpu.dma_semaphore, #tpu.memory_space<semaphore_mem>>) src(%dma_wait3A_85 : memref<10000x128xf32, #tpu.memory_space<hbm>>) dst(%arg10 : memref<80x128xf32, #tpu.memory_space<vmem>>)
    %add3A_86 = arith.constant 9920 : i32
    %add3A_87 = arith.addi %mul3A_2, %add3A_86 : i32
    %dma_wait3A_88 = arith.constant 8 : i32
    %dma_wait3A_89 = arith.constant 0 : i32
    %dma_wait3A_90 = tpu.memref_slice %arg8[%dma_wait3A_88, %dma_wait3A_89] : memref<24x80xi32, #tpu.memory_space<vmem>> -> memref<1x80xi32, #tpu.memory_space<vmem>>
    %dma_wait3A_91 = tpu.memref_squeeze %dma_wait3A_90 : memref<1x80xi32, #tpu.memory_space<vmem>> -> memref<80xi32, #tpu.memory_space<vmem>>
    %dma_wait3A_92 = tpu.memref_slice %arg4[%add3A_87] : memref<320000xi32, #tpu.memory_space<hbm>> -> memref<80xi32, #tpu.memory_space<hbm>>
    %dma_wait3A_93 = arith.constant 0 : i32
    %dma_wait3A_94 = tpu.memref_slice %arg8[%dma_wait3A_88, %dma_wait3A_93] : memref<24x80xi32, #tpu.memory_space<vmem>> -> memref<1x80xi32, #tpu.memory_space<vmem>>
    %dma_wait3A_95 = tpu.memref_squeeze %dma_wait3A_94 : memref<1x80xi32, #tpu.memory_space<vmem>> -> memref<80xi32, #tpu.memory_space<vmem>>
    %dma_wait3A_96 = tpu.memref_slice %arg4[%add3A_87] : memref<320000xi32, #tpu.memory_space<hbm>> -> memref<80xi32, #tpu.memory_space<hbm>>
    tpu.wait_dma2 semaphore(%arg15 : memref<!tpu.dma_semaphore, #tpu.memory_space<semaphore_mem>>) src(%dma_wait3A_96 : memref<80xi32, #tpu.memory_space<hbm>>) dst(%dma_wait3A_95 : memref<80xi32, #tpu.memory_space<vmem>>)
    %dma_start3A_97 = arith.constant 8 : i32
    %dma_start3A_98 = arith.constant 0 : i32
    %dma_start3A_99 = tpu.memref_slice %arg8[%dma_start3A_97, %dma_start3A_98] : memref<24x80xi32, #tpu.memory_space<vmem>> -> memref<1x80xi32, #tpu.memory_space<vmem>>
    %dma_start3A_100 = tpu.memref_squeeze %dma_start3A_99 : memref<1x80xi32, #tpu.memory_space<vmem>> -> memref<80xi32, #tpu.memory_space<vmem>>
    %dma_start3A_101 = arith.constant 0 : i32
    %dma_start3A_102 = arith.constant 0 : i32
    %dma_start3A_103 = tpu.memref_slice %arg12[%dma_start3A_101, %dma_start3A_102] : memref<10000x128xf32, #tpu.memory_space<vmem_shared>> -> memref<10000x128xf32, #tpu.memory_space<vmem_shared>>
    tpu.enqueue_indirect_dma source(%arg10 : memref<80x128xf32, #tpu.memory_space<vmem>>) target(%dma_start3A_103 : memref<10000x128xf32, #tpu.memory_space<vmem_shared>>) offsets(%dma_start3A_100 : memref<80xi32, #tpu.memory_space<vmem>>) semaphore(%arg14 : memref<!tpu.dma_semaphore, #tpu.memory_space<semaphore_mem>>) {add = true}
    %dma_wait3A_104 = arith.constant 0 : i32
    %dma_wait3A_105 = arith.constant 0 : i32
    %dma_wait3A_106 = tpu.memref_slice %arg8[%dma_wait3A_104, %dma_wait3A_105] : memref<24x80xi32, #tpu.memory_space<vmem>> -> memref<1x80xi32, #tpu.memory_space<vmem>>
    %dma_wait3A_107 = tpu.memref_squeeze %dma_wait3A_106 : memref<1x80xi32, #tpu.memory_space<vmem>> -> memref<80xi32, #tpu.memory_space<vmem>>
    %dma_wait3A_108 = arith.constant 0 : i32
    %dma_wait3A_109 = arith.constant 0 : i32
    %dma_wait3A_110 = tpu.memref_slice %arg12[%dma_wait3A_108, %dma_wait3A_109] : memref<10000x128xf32, #tpu.memory_space<vmem_shared>> -> memref<10000x128xf32, #tpu.memory_space<vmem_shared>>
    tpu.wait_indirect_dma semaphore(%arg14 : memref<!tpu.dma_semaphore, #tpu.memory_space<semaphore_mem>>) src(%arg9 : memref<80x128xf32, #tpu.memory_space<vmem>>) dst(%dma_wait3A_110 : memref<10000x128xf32, #tpu.memory_space<vmem_shared>>)
    %dma_wait3A_111 = arith.constant 8 : i32
    %dma_wait3A_112 = arith.constant 0 : i32
    %dma_wait3A_113 = tpu.memref_slice %arg8[%dma_wait3A_111, %dma_wait3A_112] : memref<24x80xi32, #tpu.memory_space<vmem>> -> memref<1x80xi32, #tpu.memory_space<vmem>>
    %dma_wait3A_114 = tpu.memref_squeeze %dma_wait3A_113 : memref<1x80xi32, #tpu.memory_space<vmem>> -> memref<80xi32, #tpu.memory_space<vmem>>
    %dma_wait3A_115 = arith.constant 0 : i32
    %dma_wait3A_116 = arith.constant 0 : i32
    %dma_wait3A_117 = tpu.memref_slice %arg12[%dma_wait3A_115, %dma_wait3A_116] : memref<10000x128xf32, #tpu.memory_space<vmem_shared>> -> memref<10000x128xf32, #tpu.memory_space<vmem_shared>>
    tpu.wait_indirect_dma semaphore(%arg14 : memref<!tpu.dma_semaphore, #tpu.memory_space<semaphore_mem>>) src(%arg10 : memref<80x128xf32, #tpu.memory_space<vmem>>) dst(%dma_wait3A_117 : memref<10000x128xf32, #tpu.memory_space<vmem_shared>>)
    %barrier3A_118 = arith.constant 0 : index
    tpu.barrier barrier_id(%barrier3A_118)
    %mul3A_119 = arith.constant 624 : i32
    %mul3A_120 = arith.muli %arg1, %mul3A_119 : i32
    %mul3A_121 = arith.constant 624 : i32
    %mul3A_122 = arith.muli %arg1, %mul3A_121 : i32
    "tpu.region"() ({
      %run_scoped3A = tpu.sem_alloc : memref<!tpu.dma_semaphore, #tpu.memory_space<semaphore_mem>>
      %dma_start3A_128 = arith.constant 0 : i32
      %dma_start3A_129 = tpu.memref_slice %arg6[%arg0, %mul3A_122, %dma_start3A_128] : memref<2x10000x128xf32, #tpu.memory_space<hbm>> -> memref<1x624x128xf32, #tpu.memory_space<hbm>>
      %dma_start3A_130 = tpu.memref_squeeze %dma_start3A_129 : memref<1x624x128xf32, #tpu.memory_space<hbm>> -> memref<624x128xf32, #tpu.memory_space<hbm>>
      %dma_start3A_131 = arith.constant 0 : i32
      %dma_start3A_132 = tpu.memref_slice %arg12[%mul3A_120, %dma_start3A_131] : memref<10000x128xf32, #tpu.memory_space<vmem_shared>> -> memref<624x128xf32, #tpu.memory_space<vmem_shared>>
      tpu.enqueue_dma source(%dma_start3A_132 : memref<624x128xf32, #tpu.memory_space<vmem_shared>>) target(%dma_start3A_130 : memref<624x128xf32, #tpu.memory_space<hbm>>) target_semaphore(%run_scoped3A : memref<!tpu.dma_semaphore, #tpu.memory_space<semaphore_mem>>)
      %dma_wait3A_133 = arith.constant 0 : i32
      %dma_wait3A_134 = tpu.memref_slice %arg6[%arg0, %mul3A_122, %dma_wait3A_133] : memref<2x10000x128xf32, #tpu.memory_space<hbm>> -> memref<1x624x128xf32, #tpu.memory_space<hbm>>
      %dma_wait3A_135 = tpu.memref_squeeze %dma_wait3A_134 : memref<1x624x128xf32, #tpu.memory_space<hbm>> -> memref<624x128xf32, #tpu.memory_space<hbm>>
      %dma_wait3A_136 = arith.constant 0 : i32
      %dma_wait3A_137 = tpu.memref_slice %arg12[%mul3A_120, %dma_wait3A_136] : memref<10000x128xf32, #tpu.memory_space<vmem_shared>> -> memref<624x128xf32, #tpu.memory_space<vmem_shared>>
      tpu.wait_dma2 semaphore(%run_scoped3A : memref<!tpu.dma_semaphore, #tpu.memory_space<semaphore_mem>>) src(%dma_wait3A_137 : memref<624x128xf32, #tpu.memory_space<vmem_shared>>) dst(%dma_wait3A_135 : memref<624x128xf32, #tpu.memory_space<hbm>>)
      tpu.yield
    }) : () -> ()
    %eq3A_123 = arith.constant 15 : i32
    %eq3A_124 = arith.cmpi eq, %arg1, %eq3A_123 : i32
    %convert_element_type3A_125 = arith.extui %eq3A_124 : i1 to i32
    %cond3A_126 = arith.constant 0 : i32
    %cond3A_127 = arith.cmpi ne, %convert_element_type3A_125, %cond3A_126 : i32
    scf.if %cond3A_127 {
      "tpu.region"() ({
        %run_scoped3A = tpu.sem_alloc : memref<!tpu.dma_semaphore, #tpu.memory_space<semaphore_mem>>
        %dma_start3A_128 = arith.constant 9984 : i32
        %dma_start3A_129 = arith.constant 0 : i32
        %dma_start3A_130 = tpu.memref_slice %arg6[%arg0, %dma_start3A_128, %dma_start3A_129] : memref<2x10000x128xf32, #tpu.memory_space<hbm>> -> memref<1x16x128xf32, #tpu.memory_space<hbm>>
        %dma_start3A_131 = tpu.memref_squeeze %dma_start3A_130 : memref<1x16x128xf32, #tpu.memory_space<hbm>> -> memref<16x128xf32, #tpu.memory_space<hbm>>
        %dma_start3A_132 = arith.constant 9984 : i32
        %dma_start3A_133 = arith.constant 0 : i32
        %dma_start3A_134 = tpu.memref_slice %arg12[%dma_start3A_132, %dma_start3A_133] : memref<10000x128xf32, #tpu.memory_space<vmem_shared>> -> memref<16x128xf32, #tpu.memory_space<vmem_shared>>
        tpu.enqueue_dma source(%dma_start3A_134 : memref<16x128xf32, #tpu.memory_space<vmem_shared>>) target(%dma_start3A_131 : memref<16x128xf32, #tpu.memory_space<hbm>>) target_semaphore(%run_scoped3A : memref<!tpu.dma_semaphore, #tpu.memory_space<semaphore_mem>>)
        %dma_wait3A_135 = arith.constant 9984 : i32
        %dma_wait3A_136 = arith.constant 0 : i32
        %dma_wait3A_137 = tpu.memref_slice %arg6[%arg0, %dma_wait3A_135, %dma_wait3A_136] : memref<2x10000x128xf32, #tpu.memory_space<hbm>> -> memref<1x16x128xf32, #tpu.memory_space<hbm>>
        %dma_wait3A_138 = tpu.memref_squeeze %dma_wait3A_137 : memref<1x16x128xf32, #tpu.memory_space<hbm>> -> memref<16x128xf32, #tpu.memory_space<hbm>>
        %dma_wait3A_139 = arith.constant 9984 : i32
        %dma_wait3A_140 = arith.constant 0 : i32
        %dma_wait3A_141 = tpu.memref_slice %arg12[%dma_wait3A_139, %dma_wait3A_140] : memref<10000x128xf32, #tpu.memory_space<vmem_shared>> -> memref<16x128xf32, #tpu.memory_space<vmem_shared>>
        tpu.wait_dma2 semaphore(%run_scoped3A : memref<!tpu.dma_semaphore, #tpu.memory_space<semaphore_mem>>) src(%dma_wait3A_141 : memref<16x128xf32, #tpu.memory_space<vmem_shared>>) dst(%dma_wait3A_138 : memref<16x128xf32, #tpu.memory_space<hbm>>)
        tpu.yield
      }) : () -> ()
    } else {
    }
    return
  }
}

module attributes {stable_mosaic.version = 14 : i64} {
  func.func @body(%arg0: i32, %arg1: memref<2000x128xf32, #tpu.memory_space<vmem>>, %arg2: memref<1x2000x128xf32, #tpu.memory_space<vmem>>, %arg3: memref<1x2000x128xf32, #tpu.memory_space<vmem>>, %arg4: memref<1x1xf32, #tpu.memory_space<vmem>>, %arg5: memref<128x128xf32, #tpu.memory_space<vmem>>, %arg6: memref<1x128xf32, #tpu.memory_space<vmem>>, %arg7: memref<128x128xf32, #tpu.memory_space<vmem>>, %arg8: memref<1x128xf32, #tpu.memory_space<vmem>>, %arg9: memref<2000x128xf32, #tpu.memory_space<vmem>>) attributes {dimension_semantics = [#tpu.dimension_semantics<arbitrary>], iteration_bounds = array<i64: 5>, scalar_prefetch = 0 : i64, scratch_operands = 0 : i64, tpu.core_type = #tpu.core_type<tc>, window_params = [{transform_indices = @transform_0, window_bounds = array<i64: 2000, 128>}, {transform_indices = @transform_1, window_bounds = array<i64: 1, 2000, 128>}, {transform_indices = @transform_2, window_bounds = array<i64: 1, 2000, 128>}, {pipeline_mode = #tpu.pipeline_mode<synchronous>, transform_indices = @transform_3, window_bounds = array<i64: 1, 1>}, {pipeline_mode = #tpu.pipeline_mode<synchronous>, transform_indices = @transform_4, window_bounds = array<i64: 128, 128>}, {pipeline_mode = #tpu.pipeline_mode<synchronous>, transform_indices = @transform_5, window_bounds = array<i64: 1, 128>}, {pipeline_mode = #tpu.pipeline_mode<synchronous>, transform_indices = @transform_6, window_bounds = array<i64: 128, 128>}, {pipeline_mode = #tpu.pipeline_mode<synchronous>, transform_indices = @transform_7, window_bounds = array<i64: 1, 128>}, {transform_indices = @transform_8, window_bounds = array<i64: 2000, 128>}]} {
    %get3A = arith.constant 0 : index
    %get3A_0 = arith.constant 0 : index
    %get3A_1 = vector.load %arg1[%get3A, %get3A_0] : memref<2000x128xf32, #tpu.memory_space<vmem>>, vector<2000x128xf32>
    %get3A_2 = arith.constant 0 : index
    %get3A_3 = arith.constant 0 : index
    %get3A_4 = vector.load %arg4[%get3A_2, %get3A_3] : memref<1x1xf32, #tpu.memory_space<vmem>>, vector<1x1xf32>
    %get3A_5 = vector.extract %get3A_4[0, 0] : f32 from vector<1x1xf32>
    %mul3A = vector.broadcast %get3A_5 : f32 to vector<2000x128xf32>
    %mul3A_6 = arith.mulf %get3A_1, %mul3A : vector<2000x128xf32>
    %get3A_7 = arith.constant 0 : index
    %get3A_8 = arith.constant 0 : index
    %get3A_9 = arith.constant 0 : index
    %get3A_10 = vector.load %arg2[%get3A_7, %get3A_8, %get3A_9] : memref<1x2000x128xf32, #tpu.memory_space<vmem>>, vector<1x2000x128xf32>
    %get3A_11 = vector.shape_cast %get3A_10 : vector<1x2000x128xf32> to vector<2000x128xf32>
    %add3A = arith.addf %mul3A_6, %get3A_11 : vector<2000x128xf32>
    %get3A_12 = arith.constant 0 : index
    %get3A_13 = arith.constant 0 : index
    %get3A_14 = arith.constant 0 : index
    %get3A_15 = vector.load %arg3[%get3A_12, %get3A_13, %get3A_14] : memref<1x2000x128xf32, #tpu.memory_space<vmem>>, vector<1x2000x128xf32>
    %get3A_16 = vector.shape_cast %get3A_15 : vector<1x2000x128xf32> to vector<2000x128xf32>
    %add3A_17 = arith.addf %add3A, %get3A_16 : vector<2000x128xf32>
    %get3A_18 = arith.constant 0 : index
    %get3A_19 = arith.constant 0 : index
    %get3A_20 = vector.load %arg5[%get3A_18, %get3A_19] : memref<128x128xf32, #tpu.memory_space<vmem>>, vector<128x128xf32>
    %dot_general3A = arith.constant dense<0.000000e+00> : vector<2000x128xf32>
    %dot_general3A_21 = tpu.matmul %add3A_17, %get3A_20, %dot_general3A {dimension_numbers = #tpu.dot_dimension_numbers<[1], [0], [0], [1], [0, 0, 1, 1], [], []>, transpose_lhs_hint = false} : vector<2000x128xf32>, vector<128x128xf32>, vector<2000x128xf32> -> vector<2000x128xf32>
    %get3A_22 = arith.constant 0 : index
    %get3A_23 = arith.constant 0 : index
    %get3A_24 = vector.load %arg6[%get3A_22, %get3A_23] : memref<1x128xf32, #tpu.memory_space<vmem>>, vector<1x128xf32>
    %add3A_25 = vector.broadcast %get3A_24 : vector<1x128xf32> to vector<2000x128xf32>
    %add3A_26 = arith.addf %dot_general3A_21, %add3A_25 : vector<2000x128xf32>
    %max3A = arith.constant 0.000000e+00 : f32
    %max3A_27 = vector.broadcast %max3A : f32 to vector<2000x128xf32>
    %max3A_28 = arith.maximumf %add3A_26, %max3A_27 : vector<2000x128xf32>
    %get3A_29 = arith.constant 0 : index
    %get3A_30 = arith.constant 0 : index
    %get3A_31 = vector.load %arg7[%get3A_29, %get3A_30] : memref<128x128xf32, #tpu.memory_space<vmem>>, vector<128x128xf32>
    %dot_general3A_32 = arith.constant dense<0.000000e+00> : vector<2000x128xf32>
    %dot_general3A_33 = tpu.matmul %max3A_28, %get3A_31, %dot_general3A_32 {dimension_numbers = #tpu.dot_dimension_numbers<[1], [0], [0], [1], [0, 0, 1, 1], [], []>, transpose_lhs_hint = false} : vector<2000x128xf32>, vector<128x128xf32>, vector<2000x128xf32> -> vector<2000x128xf32>
    %get3A_34 = arith.constant 0 : index
    %get3A_35 = arith.constant 0 : index
    %get3A_36 = vector.load %arg8[%get3A_34, %get3A_35] : memref<1x128xf32, #tpu.memory_space<vmem>>, vector<1x128xf32>
    %add3A_37 = vector.broadcast %get3A_36 : vector<1x128xf32> to vector<2000x128xf32>
    %add3A_38 = arith.addf %dot_general3A_33, %add3A_37 : vector<2000x128xf32>
    %max3A_39 = arith.constant 0.000000e+00 : f32
    %max3A_40 = vector.broadcast %max3A_39 : f32 to vector<2000x128xf32>
    %max3A_41 = arith.maximumf %add3A_38, %max3A_40 : vector<2000x128xf32>
    %swap3A = arith.constant 0 : index
    %swap3A_42 = arith.constant 0 : index
    %swap3A_43 = vector.load %arg9[%swap3A, %swap3A_42] : memref<2000x128xf32, #tpu.memory_space<vmem>>, vector<2000x128xf32>
    tpu.vector_store %arg9[%swap3A, %swap3A_42], %max3A_41 {strides = array<i32>} : memref<2000x128xf32, #tpu.memory_space<vmem>>, vector<2000x128xf32>,
    return
  }
  func.func @transform_0(%arg0: i32) -> (i32, i32) {
    %c0_i32 = arith.constant 0 : i32
    %c0_i32_0 = arith.constant 0 : i32
    return %arg0, %c0_i32 : i32, i32
  }
  func.func @transform_1(%arg0: i32) -> (i32, i32, i32) {
    %c0_i32 = arith.constant 0 : i32
    %c0_i32_0 = arith.constant 0 : i32
    %c0_i32_1 = arith.constant 0 : i32
    return %c0_i32, %arg0, %c0_i32_0 : i32, i32, i32
  }
  func.func @transform_2(%arg0: i32) -> (i32, i32, i32) {
    %c1_i32 = arith.constant 1 : i32
    %c0_i32 = arith.constant 0 : i32
    %c0_i32_0 = arith.constant 0 : i32
    return %c1_i32, %arg0, %c0_i32 : i32, i32, i32
  }
  func.func @transform_3(%arg0: i32) -> (i32, i32) {
    %c0_i32 = arith.constant 0 : i32
    %c0_i32_0 = arith.constant 0 : i32
    %c0_i32_1 = arith.constant 0 : i32
    return %c0_i32, %c0_i32_0 : i32, i32
  }
  func.func @transform_4(%arg0: i32) -> (i32, i32) {
    %c0_i32 = arith.constant 0 : i32
    %c0_i32_0 = arith.constant 0 : i32
    %c0_i32_1 = arith.constant 0 : i32
    return %c0_i32, %c0_i32_0 : i32, i32
  }
  func.func @transform_5(%arg0: i32) -> (i32, i32) {
    %c0_i32 = arith.constant 0 : i32
    %c0_i32_0 = arith.constant 0 : i32
    %c0_i32_1 = arith.constant 0 : i32
    return %c0_i32, %c0_i32_0 : i32, i32
  }
  func.func @transform_6(%arg0: i32) -> (i32, i32) {
    %c0_i32 = arith.constant 0 : i32
    %c0_i32_0 = arith.constant 0 : i32
    %c0_i32_1 = arith.constant 0 : i32
    return %c0_i32, %c0_i32_0 : i32, i32
  }
  func.func @transform_7(%arg0: i32) -> (i32, i32) {
    %c0_i32 = arith.constant 0 : i32
    %c0_i32_0 = arith.constant 0 : i32
    %c0_i32_1 = arith.constant 0 : i32
    return %c0_i32, %c0_i32_0 : i32, i32
  }
  func.func @transform_8(%arg0: i32) -> (i32, i32) {
    %c0_i32 = arith.constant 0 : i32
    %c0_i32_0 = arith.constant 0 : i32
    return %arg0, %c0_i32 : i32, i32
  }
}

module attributes {stable_mosaic.version = 14 : i64} {
  func.func @body(%arg0: i32, %arg1: memref<2000x128xf32, #tpu.memory_space<vmem>>, %arg2: memref<1x2000x128xf32, #tpu.memory_space<vmem>>, %arg3: memref<1x2000x128xf32, #tpu.memory_space<vmem>>, %arg4: memref<128x128xf32, #tpu.memory_space<vmem>>, %arg5: memref<1x128xf32, #tpu.memory_space<vmem>>, %arg6: memref<128x128xf32, #tpu.memory_space<vmem>>, %arg7: memref<1x128xf32, #tpu.memory_space<vmem>>, %arg8: memref<2000x128xf32, #tpu.memory_space<vmem>>) attributes {dimension_semantics = [#tpu.dimension_semantics<arbitrary>], iteration_bounds = array<i64: 5>, scalar_prefetch = 0 : i64, scratch_operands = 0 : i64, tpu.core_type = #tpu.core_type<tc>, window_params = [{transform_indices = @transform_0, window_bounds = array<i64: 2000, 128>}, {transform_indices = @transform_1, window_bounds = array<i64: 1, 2000, 128>}, {transform_indices = @transform_2, window_bounds = array<i64: 1, 2000, 128>}, {pipeline_mode = #tpu.pipeline_mode<synchronous>, transform_indices = @transform_3, window_bounds = array<i64: 128, 128>}, {pipeline_mode = #tpu.pipeline_mode<synchronous>, transform_indices = @transform_4, window_bounds = array<i64: 1, 128>}, {pipeline_mode = #tpu.pipeline_mode<synchronous>, transform_indices = @transform_5, window_bounds = array<i64: 128, 128>}, {pipeline_mode = #tpu.pipeline_mode<synchronous>, transform_indices = @transform_6, window_bounds = array<i64: 1, 128>}, {transform_indices = @transform_7, window_bounds = array<i64: 2000, 128>}]} {
    %get3A = arith.constant 0 : index
    %get3A_0 = arith.constant 0 : index
    %get3A_1 = vector.load %arg1[%get3A, %get3A_0] : memref<2000x128xf32, #tpu.memory_space<vmem>>, vector<2000x128xf32>
    %get3A_2 = arith.constant 0 : index
    %get3A_3 = arith.constant 0 : index
    %get3A_4 = arith.constant 0 : index
    %get3A_5 = vector.load %arg2[%get3A_2, %get3A_3, %get3A_4] : memref<1x2000x128xf32, #tpu.memory_space<vmem>>, vector<1x2000x128xf32>
    %get3A_6 = vector.shape_cast %get3A_5 : vector<1x2000x128xf32> to vector<2000x128xf32>
    %add3A = arith.addf %get3A_1, %get3A_6 : vector<2000x128xf32>
    %get3A_7 = arith.constant 0 : index
    %get3A_8 = arith.constant 0 : index
    %get3A_9 = arith.constant 0 : index
    %get3A_10 = vector.load %arg3[%get3A_7, %get3A_8, %get3A_9] : memref<1x2000x128xf32, #tpu.memory_space<vmem>>, vector<1x2000x128xf32>
    %get3A_11 = vector.shape_cast %get3A_10 : vector<1x2000x128xf32> to vector<2000x128xf32>
    %add3A_12 = arith.addf %add3A, %get3A_11 : vector<2000x128xf32>
    %get3A_13 = arith.constant 0 : index
    %get3A_14 = arith.constant 0 : index
    %get3A_15 = vector.load %arg4[%get3A_13, %get3A_14] : memref<128x128xf32, #tpu.memory_space<vmem>>, vector<128x128xf32>
    %dot_general3A = arith.constant dense<0.000000e+00> : vector<2000x128xf32>
    %dot_general3A_16 = tpu.matmul %add3A_12, %get3A_15, %dot_general3A {dimension_numbers = #tpu.dot_dimension_numbers<[1], [0], [0], [1], [0, 0, 1, 1], [], []>, transpose_lhs_hint = false} : vector<2000x128xf32>, vector<128x128xf32>, vector<2000x128xf32> -> vector<2000x128xf32>
    %get3A_17 = arith.constant 0 : index
    %get3A_18 = arith.constant 0 : index
    %get3A_19 = vector.load %arg5[%get3A_17, %get3A_18] : memref<1x128xf32, #tpu.memory_space<vmem>>, vector<1x128xf32>
    %add3A_20 = vector.broadcast %get3A_19 : vector<1x128xf32> to vector<2000x128xf32>
    %add3A_21 = arith.addf %dot_general3A_16, %add3A_20 : vector<2000x128xf32>
    %max3A = arith.constant 0.000000e+00 : f32
    %max3A_22 = vector.broadcast %max3A : f32 to vector<2000x128xf32>
    %max3A_23 = arith.maximumf %add3A_21, %max3A_22 : vector<2000x128xf32>
    %get3A_24 = arith.constant 0 : index
    %get3A_25 = arith.constant 0 : index
    %get3A_26 = vector.load %arg6[%get3A_24, %get3A_25] : memref<128x128xf32, #tpu.memory_space<vmem>>, vector<128x128xf32>
    %dot_general3A_27 = arith.constant dense<0.000000e+00> : vector<2000x128xf32>
    %dot_general3A_28 = tpu.matmul %max3A_23, %get3A_26, %dot_general3A_27 {dimension_numbers = #tpu.dot_dimension_numbers<[1], [0], [0], [1], [0, 0, 1, 1], [], []>, transpose_lhs_hint = false} : vector<2000x128xf32>, vector<128x128xf32>, vector<2000x128xf32> -> vector<2000x128xf32>
    %get3A_29 = arith.constant 0 : index
    %get3A_30 = arith.constant 0 : index
    %get3A_31 = vector.load %arg7[%get3A_29, %get3A_30] : memref<1x128xf32, #tpu.memory_space<vmem>>, vector<1x128xf32>
    %add3A_32 = vector.broadcast %get3A_31 : vector<1x128xf32> to vector<2000x128xf32>
    %add3A_33 = arith.addf %dot_general3A_28, %add3A_32 : vector<2000x128xf32>
    %swap3A = arith.constant 0 : index
    %swap3A_34 = arith.constant 0 : index
    %swap3A_35 = vector.load %arg8[%swap3A, %swap3A_34] : memref<2000x128xf32, #tpu.memory_space<vmem>>, vector<2000x128xf32>
    tpu.vector_store %arg8[%swap3A, %swap3A_34], %add3A_33 {strides = array<i32>} : memref<2000x128xf32, #tpu.memory_space<vmem>>, vector<2000x128xf32>,
    return
  }
  func.func @transform_0(%arg0: i32) -> (i32, i32) {
    %c0_i32 = arith.constant 0 : i32
    %c0_i32_0 = arith.constant 0 : i32
    return %arg0, %c0_i32 : i32, i32
  }
  func.func @transform_1(%arg0: i32) -> (i32, i32, i32) {
    %c0_i32 = arith.constant 0 : i32
    %c0_i32_0 = arith.constant 0 : i32
    %c0_i32_1 = arith.constant 0 : i32
    return %c0_i32, %arg0, %c0_i32_0 : i32, i32, i32
  }
  func.func @transform_2(%arg0: i32) -> (i32, i32, i32) {
    %c1_i32 = arith.constant 1 : i32
    %c0_i32 = arith.constant 0 : i32
    %c0_i32_0 = arith.constant 0 : i32
    return %c1_i32, %arg0, %c0_i32 : i32, i32, i32
  }
  func.func @transform_3(%arg0: i32) -> (i32, i32) {
    %c0_i32 = arith.constant 0 : i32
    %c0_i32_0 = arith.constant 0 : i32
    %c0_i32_1 = arith.constant 0 : i32
    return %c0_i32, %c0_i32_0 : i32, i32
  }
  func.func @transform_4(%arg0: i32) -> (i32, i32) {
    %c0_i32 = arith.constant 0 : i32
    %c0_i32_0 = arith.constant 0 : i32
    %c0_i32_1 = arith.constant 0 : i32
    return %c0_i32, %c0_i32_0 : i32, i32
  }
  func.func @transform_5(%arg0: i32) -> (i32, i32) {
    %c0_i32 = arith.constant 0 : i32
    %c0_i32_0 = arith.constant 0 : i32
    %c0_i32_1 = arith.constant 0 : i32
    return %c0_i32, %c0_i32_0 : i32, i32
  }
  func.func @transform_6(%arg0: i32) -> (i32, i32) {
    %c0_i32 = arith.constant 0 : i32
    %c0_i32_0 = arith.constant 0 : i32
    %c0_i32_1 = arith.constant 0 : i32
    return %c0_i32, %c0_i32_0 : i32, i32
  }
  func.func @transform_7(%arg0: i32) -> (i32, i32) {
    %c0_i32 = arith.constant 0 : i32
    %c0_i32_0 = arith.constant 0 : i32
    return %arg0, %c0_i32 : i32, i32
  }
}

</mosaic_0001>

<sc_bundles>
// kernel: kernel.6.cloned.1.call-start
scs
__scs_entry_jumppad:
0x0: {  	(pc) =	sbr.rel $0x88, $3  }
0x1: {  	(tag) =	ssettag $0x0;
	lr =	simm.s32 $0x1  }
0x2: {  	[smem:$0x3F96] =	sst lr;
	_ =	strace $0xD0000000  }
0x3: {  	_ = 	snop  }
0x4: {  	_ = 	snop  }
0x5: {  	_ = 	snop  }
0x6: {  	_ = 	snop  }
0x7: {  	_ = 	snop  }
__scs_overlays_trampoline_lowered:
0x8: {  	[smem:$0x3FA5] =	sst s0  }
0x9: {  	[smem:$0x3FA6] =	sst s1  }
0xa: {  	[smem:$0x3FA7] =	sst s2  }
0xb: {  	[smem:$0x3FA8] =	sst s3  }
0xc: {  	[smem:$0x3FA9] =	sst s4  }
0xd: {  	[smem:$0x3FAA] =	sst s5  }
0xe: {  	[smem:$0x3FAB] =	sst s6  }
0xf: {  	[smem:$0x3FAC] =	sst s7  }
0x10: {  	[smem:$0x3FAD] =	sst s8  }
0x11: {  	[smem:$0x3FAE] =	sst s9;
	s0 =	simm.s32 @!p0 $0x0  }
0x12: {  	s1 =	sld [smem:$0x3F94];
	s0 =	simm.s32 @p0 $0x1  }
0x13: {  	[smem:$0x3FAF] =	sst s0;
	s0 =	simm.s32 @!p1 $0x0  }
0x14: {  	s2 =	sld [smem:$0x3F93];
	s0 =	simm.s32 @p1 $0x1  }
0x15: {  	[smem:$0x3FB0] =	sst s0;
	s0 =	simm.s32 @!p2 $0x0  }
0x16: {  	s3 =	sld [smem:$0x3FDB];
	s0 =	simm.s32 @p2 $0x1  }
0x17: {  	s4 =	simm.s32 $0x1BF5;
	[smem:$0x3FB2] =	sst s0  }
0x18: {  	s0 =	sld [smem:$0x3F95];
	_ =	swait.ge [sflag:s4], $0x0  }
0x19: {  	s7 =	sld [smem:$0x3F96]  }
0x1a: {  	s8 =	sadd.s32 $0xFFFFE003, lr  }
0x1b: {  	s9 =	sadd.s32 $0xFFFFFEF7, lr;
	s5 =	simm.s32 $0xFFFFFFFF;
	p2 =	slt.u32 s8, $0xFFFFF086  }
0x1c: {  	p1 =	slt.u32 s9, $0xF7A;
	s5 =	simm.s32 @!p2 $0x0  }
0x1d: {  	s5 =	simm.s32 @p1 $0x1;
	p0 =	seq.s32 s7, s2  }
0x1e: {  	s7 =	smul.u32 @!p0 $0xF7A, s2;
	p2 =	seq.s32 @!p0 s5, $0x0  }
0x1f: {  	s9 =	smul.u32 $0xF7A, s1;
	s8 =	simm.s32 @!p0 $0x1BF5;
	p2 =	por !p2, p0  }
0x20: {  	[sflag:s8] =	ssyncset.s32 @!p0 $0xFFFFF086;
	s6 =	sadd.s32 @!p0 s3, s7;
	s7 =	simm.s32 @!p0 $0x108  }
0x21: {  	s3 =	sadd.s32 s3, s9;
	s6 =	sadd.s32 @!p0 $0x88, s6;
	s7 =	simm.s32 @p2 $0x1082  }
0x22: {  	[simem:s7], [sflag:s8] =	dma.local @!p0 [hbm:s6], $0xF7A  }
0x23: {  	s9 =	sor.u32 $0xD0000000, s2;
	s6 =	simm.s32 $0x108;
	_ =	swait.ge @!p0 [sflag:s8], $0x0  }
0x24: {  	s3 =	sadd.s32 $0x88, s3;
	s6 =	simm.s32 @!p1 $0x1082;
	[sflag:s4] =	ssyncset.s32 $0xFFFFF086  }
0x25: {  	[simem:s6], [sflag:s4] =	dma.local [hbm:s3], $0xF7A  }
0x26: {  	[smem:$0x3F96] =	sst s1;
	(tag) =	ssettag s2;
	_ =	strace s9  }
0x27: {  	s1 =	sld [smem:$0x3FA6]  }
0x28: {  	s2 =	sld [smem:$0x3FA7]  }
0x29: {  	s4 =	sld [smem:$0x3FA9]  }
0x2a: {  	p0 =	seq.s32 s5, $0x0;
	s5 =	sld [smem:$0x3FAA]  }
0x2b: {  	s6 =	sld [smem:$0x3FAB]  }
0x2c: {  	s7 =	sld [smem:$0x3FAC]  }
0x2d: {  	s3 =	simm.s32 $0x108;
	s8 =	sld [smem:$0x3FAD]  }
0x2e: {  	s3 =	simm.s32 @!p0 $0x1082;
	s9 =	sld [smem:$0x3FAE]  }
0x2f: {  	lr =	sadd.s32 s0, s3;
	s0 =	sld [smem:$0x3FA5]  }
0x30: {  	s3 =	sld [smem:$0x3FA8]  }
0x31: {  	[smem:$0x3FB1] =	sst s10  }
0x32: {  	s10 =	sld [smem:$0x3FAF];
	_ =	sdelay $0x3  }
0x33: {  	p0 =	seq.s32 s10, $0x1;
	s10 =	sld [smem:$0x3FB1];
	_ =	sdelay $0x3  }
0x34: {  	[smem:$0x3FB1] =	sst s10  }
0x35: {  	s10 =	sld [smem:$0x3FB0];
	_ =	sdelay $0x3  }
0x36: {  	p1 =	seq.s32 s10, $0x1;
	s10 =	sld [smem:$0x3FB1];
	_ =	sdelay $0x3  }
0x37: {  	[smem:$0x3FB1] =	sst s10  }
0x38: {  	s10 =	sld [smem:$0x3FB2]  }
0x39: {  	_ = 	snop;
	(pc) =	sbr.ind lr, $3  }
0x3a: {  	_ = 	snop  }
0x3b: {  	_ = 	snop  }
0x3c: {  	p2 =	seq.s32 s10, $0x1;
	s10 =	sld [smem:$0x3FB1]  }
0x3d: {  	_ =	shalt  }
0x3e: {  	_ =	shalt  }
0x3f: {  	_ =	shalt  }
0x40: {  	_ =	shalt  }
0x41: {  	_ =	shalt  }
0x42: {  	_ =	shalt  }
0x43: {  	_ =	shalt  }
0x44: {  	_ =	shalt  }
0x45: {  	_ =	shalt  }
0x46: {  	_ =	shalt  }
0x47: {  	_ =	shalt  }
0x48: {  	_ =	shalt  }
0x49: {  	_ =	shalt  }
0x4a: {  	_ =	shalt  }
0x4b: {  	_ =	shalt  }
0x4c: {  	_ =	shalt  }
0x4d: {  	_ =	shalt  }
0x4e: {  	_ =	shalt  }
0x4f: {  	_ =	shalt  }
0x50: {  	_ =	shalt  }
0x51: {  	_ =	shalt  }
0x52: {  	_ =	shalt  }
0x53: {  	_ =	shalt  }
0x54: {  	_ =	shalt  }
0x55: {  	_ =	shalt  }
0x56: {  	_ =	shalt  }
0x57: {  	_ =	shalt  }
0x58: {  	_ =	shalt  }
0x59: {  	_ =	shalt  }
0x5a: {  	_ =	shalt  }
0x5b: {  	_ =	shalt  }
0x5c: {  	_ =	shalt  }
0x5d: {  	_ =	shalt  }
0x5e: {  	_ =	shalt  }
0x5f: {  	_ =	shalt  }
0x60: {  	_ =	shalt  }
0x61: {  	_ =	shalt  }
0x62: {  	_ =	shalt  }
0x63: {  	_ =	shalt  }
0x64: {  	_ =	shalt  }
0x65: {  	_ =	shalt  }
0x66: {  	_ =	shalt  }
0x67: {  	_ =	shalt  }
0x68: {  	_ =	shalt  }
0x69: {  	_ =	shalt  }
0x6a: {  	_ =	shalt  }
0x6b: {  	_ =	shalt  }
0x6c: {  	_ =	shalt  }
0x6d: {  	_ =	shalt  }
0x6e: {  	_ =	shalt  }
0x6f: {  	_ =	shalt  }
0x70: {  	_ =	shalt  }
0x71: {  	_ =	shalt  }
0x72: {  	_ =	shalt  }
0x73: {  	_ =	shalt  }
0x74: {  	_ =	shalt  }
0x75: {  	_ =	shalt  }
0x76: {  	_ =	shalt  }
0x77: {  	_ =	shalt  }
0x78: {  	_ =	shalt  }
0x79: {  	_ =	shalt  }
0x7a: {  	_ =	shalt  }
0x7b: {  	_ =	shalt  }
0x7c: {  	_ =	shalt  }
0x7d: {  	_ =	shalt  }
0x7e: {  	_ =	shalt  }
0x7f: {  	_ =	shalt  }
0x80: {  	_ =	shalt  }
0x81: {  	_ =	shalt  }
0x82: {  	_ =	shalt  }
0x83: {  	_ =	shalt  }
0x84: {  	_ =	shalt  }
0x85: {  	_ =	shalt  }
0x86: {  	_ =	shalt  }
0x87: {  	_ =	shalt  }
.Lfunc_end0:
.L_simem_size_0:
called_computation_lowered:
.L_overlay_start_0:
0x88: {  	s2 =	sld [smem:$0x3FD9]  }
0x89: {  	s3 =	sld [smem:$0x3FFE];
	_ =	sdelay $0x1  }
0x8a: {  	s1 =	srdreg.scid  }
0x8b: {  	s0 =	sand.u32 $0x1, s1  }
0x8c: {  	s17 =	sshll.u32 s0, $0xA;
	s2 =	sadd.s32 s3, s2  }
0x8d: {  	s2 =	sadd.s32 s2, s17  }
0x8e: {  	[smem:$0x3FBD] =	sst s2  }
0x8f: {  	_ = 	snop  }
0x90: {  	s2 =	sld [smem:$0x3FC9];
	(tm) =	ssettm $0x1  }
0x91: {  	s18 =	sld [smem:$0x3FFB];
	_ =	sdelay $0x3  }
0x92: {  	_ =	strace s18  }
0x93: {  	s3 =	sld [smem:$0x3FFC];
	_ =	sdelay $0x3  }
0x94: {  	_ =	strace s3  }
0x95: {  	s3 =	sld [smem:$0x3FFD];
	_ =	sdelay $0x3  }
0x96: {  	_ =	strace s3  }
0x97: {  	_ =	strace $0x8FFFFFFF  }
0x98: {  	s19 =	sld [smem:$0x3FDB];
	_ =	sdelay $0x1  }
0x99: {  	s4 =	simm.s32 $_scs_section_size  }
0x9a: {  	s5 =	simm.s32 $_size__tile_overlayer_lowered;
	s6 =	simm.s32 $_tile_overlayer_lowered  }
0x9b: {  	s22 =	simm.s32 $0x1BFF;
	s21 =	sshll.u32 s6, $0x1;
	s3 =	sadd.s32 s4, s19  }
0x9c: {  	s7 =	simm.s32 $0x0;
	s20 =	sshll.u32 s5, $0x1;
	s5 =	sadd.s32 s21, s3  }
0x9d: {  	[timem:s7], [sflag:s22] =	dma.local [hbm:s5], s20  }
0x9e: {  	_ =	swait.ge [sflag:s22], s20  }
0x9f: {  	s4 =	ssub.s32 $0x0, s20;
	[sflag:s22] =	ssyncset.done $0x0  }
0xa0: {  	[sflag:s22] =	ssyncadd.s32 s4;
	_ =	sdelay $0x1  }
0xa1: {  	s23 =	simm.s32 $0x1B8B  }
0xa2: {  	_ =	swait.ge [sflag:s23], $0x1  }
0xa3: {  	[sflag:s23] =	ssyncset.done $0x0  }
0xa4: {  	s25 =	simm.s32 $0x1B8E;
	s24 =	sld [smem:$0x3FFE];
	[sflag:s23] =	ssyncadd.s32 $0xFFFFFFFF  }
0xa5: {  	s26 =	simm.s32 $execute0_lowered;
	[smem:$0x3FD2] =	sst s25  }
0xa6: {  	s5 =	sshll.u32 s26, $0x1;
	_ =	strace $0x80000046;
	[dreg:$0x1] =	wrdreg $0xFFFFFFFF  }
0xa7: {  	s28 =	simm.s32 $_size_execute0_lowered;
	s3 =	sadd.s32 s3, s5;
	[dreg:$0x0] =	wrdreg $0x0  }
0xa8: {  	s5 =	sshll.u32 s28, $0x1;
	[dreg:$0x2] =	wrdreg s3  }
0xa9: {  	[dreg:$0x3] =	wrdreg s5  }
0xaa: {  	[dreg:$0x4] =	wrdreg $0xC0  }
0xab: {  	_ =	task [dreg:s7], $0x5FFFF  }
0xac: {  	[dreg:$0x1] =	wrdreg $0xFFFFFFFF  }
0xad: {  	[dreg:$0x0] =	wrdreg $0x60  }
0xae: {  	[dreg:$0x2] =	wrdreg s2  }
0xaf: {  	[dreg:$0x3] =	wrdreg s24  }
0xb0: {  	[dreg:$0x4] =	wrdreg $0xAB800  }
0xb1: {  	[dreg:$0x5] =	wrdreg $0x9  }
0xb2: {  	_ =	task.clear_ibuf [dreg:s7], $0x6FFFF;
	_ =	strace $0x90000046  }
0xb3: {  	s29 =	simm.s32 $0x9;
	_ =	strace $0x80000048  }
0xb4: {  	_ =	swait.ge [sflag:s29], $0x1  }
0xb5: {  	[sflag:s29] =	ssyncadd.s32 $0xFFFFFFFF  }
0xb6: {  	_ =	strace $0x90000048  }
0xb7: {  	_ =	sfence  }
0xb8: {  	s30 =	sld [smem:$0x0];
	_ =	sdelay $0x2  }
0xb9: {  	s31 =	sshll.u32 s1, $0xD;
	s1 =	sshrl.u32 s1, $0x2  }
0xba: {  	s3 =	sand.u32 $0x4000, s31;
	s1 =	sadd.s32 s1, s30  }
0xbb: {  	s0 =	sor.u32 s3, s0;
	s1 =	sshll.u32 s1, $0x11  }
0xbc: {  	s0 =	sor.u32 s1, s0  }
0xbd: {  	s0 =	sadd.s32 $0x8F2B, s0  }
0xbe: {  	[sflag:s0] =	ssyncadd.remote.s32 $0x1  }
0xbf: {  	_ =	sfence.sel $0xFFFF  }
0xc0: {  	[dreg:$0x0] =	wrdreg $0xFFFFFFFF;
	(pc) =	sbr.abs _section_cstart, $3  }
0xc1: {  	[dreg:$0x1] =	wrdreg $0xFFFFFFFF  }
0xc2: {  	_ =	task.clear_ibuf [dreg:s7], $0x2FFFF;
	_ =	strace $0x9FFFFFFF  }
0xc3: {  	(tm) =	ssettm $0x7FFFFFFF  }
tec
execute0_lowered:
.L_overlay_start_1:
0x0: {  	(tag) =	ssettag $0x1  }
0x1: {  	s0 =	srdreg.scid;
	s1 =	rddreg [dreg:$0x0]  }
0x2: {  	s13 =	stileid.u32;
	s7 =	rddreg [dreg:$0x1];
	s28 =	simm.s32 $0x3380  }
0x3: {  	s29 =	simm.s32 $0x5B80;
	s30 =	simm.s32 $0x1;
	s11 =	smul.u32 $0x4E000, s13  }
0x4: {  	s31 =	simm.s32 $0x3;
	s0 =	sand.u32 $0x1, s0;
	s16 =	smul.u32 $0x13800, s13  }
0x5: {  	s2 =	sshll.u32 s13, $0x1;
	s3 =	sshrl.u32 s13, $0x2;
	s20 =	smul.u32 $0x4E20, s13  }
0x6: {  	s10 =	sadd.s32 $0x18400, s7;
	p0 =	sne.s32 s13, $0xF;
	s5 =	smul.u32 $0x13C00, s3  }
0x7: {  	s2 =	sor.u32 s0, s2;
	s3 =	rddreg [dreg:$0x2];
	s12 =	smul.u32 $0x138800, s0  }
0x8: {  	s9 =	ssub.s32 $0x2, s0;
	s0 =	smul.u32 $0x2710, s0;
	s4 =	sshll.u32 s2, $0x7  }
0x9: {  	s2 =	smul.u32 $0x2710, s2;
	s14 =	sshrl.u32 s9, $0x1;
	s15 =	sshrl.u32 s11, $0x2  }
0xa: {  	s18 =	sadd.s32 $0x138000, s3;
	s6 =	sand.u32 $0x380, s4;
	s4 =	simm.s32 $0x0  }
0xb: {  	s9 =	ssub.s32 s9, s14;
	s19 =	sadd.s32 s16, s12;
	s21 =	sshrl.u32 s12, $0x3  }
0xc: {  	s0 =	sadd.s32 s0, s20;
	s5 =	sor.u32 s5, s6;
	[smem:$0x7FF] =	sst s4  }
0xd: {  	s6 =	sadd.s32 $0x15C00, s7;
	s2 =	sshrl.u32 s2, $0x3;
	s23 =	sadd.s32 s10, s21  }
0xe: {  	s24 =	smax.u32 s9, $0x1;
	s26 =	sadd.s32 $0x190, s0;
	s20 =	sadd.s32 $0xF0, s0  }
0xf: {  	s5 =	sshrl.u32 s5, $0x3;
	_ =	strace $0x80000047;
	[dreg:$0x7] =	wrdreg s18  }
0x10: {  	s21 =	simm.s32 $0x8380;
	[dreg:$0xb] =	wrdreg s24;
	s8 =	sadd.s32 s5, s7  }
0x11: {  	s24 =	simm.s32 $0x2780;
	s5 =	sadd.s32 $0x2000, s7;
	s8 =	sadd.s32 $0xBE00, s8  }
0x12: {  	s7 =	sadd.s32 s5, s2;
	s2 =	sadd.s32 s15, s3;
	[dreg:$0x4] =	wrdreg s8  }
0x13: {  	s17 =	sadd.s32 $0xA, s7;
	[dreg:$0x6] =	wrdreg s2;
	s2 =	sshrl.u32 s19, $0x3  }
0x14: {  	s22 =	sadd.s32 $0x14, s7;
	s25 =	sadd.s32 $0x4CE, s7;
	[dreg:$0x5] =	wrdreg s17  }
0x15: {  	s8 =	sadd.s32 $0x140, s0;
	s0 =	simm.s32 $0x0;
	[dreg:$0x8] =	wrdreg s22  }
0x16: {  	s2 =	sadd.s32 s10, s2;
	[dreg:$0xc] =	wrdreg s25;
	s17 =	sadd.s32 $0x4D8, s7  }
0x17: {  	s8 =	sshrl.u32 s8, $0x3;
	s25 =	simm.s32 $0x2B80;
	s22 =	simm.s32 $0x2  }
0x18: {  	[dreg:$0x9] =	wrdreg s2;
	s2 =	sadd.s32 $0x27000, s23;
	s19 =	sadd.s32 s8, s5  }
0x19: {  	s23 =	simm.s32 $0x4;
	[dreg:$0xa] =	wrdreg s2;
	s2 =	sshrl.u32 s26, $0x3  }
0x1a: {  	s26 =	simm.s32 $0x50;
	s18 =	sadd.s32 s2, s5;
	s2 =	simm.s32 $0x2F80  }
.LBB2_1:
0x1b: {  	s8 =	rddreg [dreg:$0x4];
	s9 =	simm.s32 $0x80;
	s10 =	simm.s32 $0x400  }
0x1c: {  	[tilespmem:s4], [sflag:$0x4] =	stream.strided.gather [hbm4b:s8+s9], $0x2780, s10, s9, $0x38;
	[tilespmem:$0x1E400] =	vst v63  }
0x1d: {  	_ =	swait.ge [sflag:s23], $0x2780  }
0x1e: {  	[sflag:s23] =	ssyncset.done $0x0  }
0x1f: {  	[sflag:s23] =	ssyncadd.s32 $0xFFFFD880  }
0x20: {  	[tilespmem:s24], [sflag:$0x3] =	stream.linear.gather [hbm4b:s7+s4], $0x50, $0x38;
	[tilespmem:$0x1E400] =	vst v63  }
0x21: {  	s10 =	stileid.u32;
	s9 =	rddreg [dreg:$0x5]  }
0x22: {  	[tilespmem:s25], [sflag:$0x3] =	stream.linear.gather [hbm4b:s9+s4], $0x50, $0x38;
	[tilespmem:$0x1E400] =	vst v63  }
0x23: {  	s8 =	sshll.u32 s10, $0x6;
	s11 =	rddreg [dreg:$0x6]  }
0x24: {  	[tilespmem:s28], [sflag:$0x1] =	stream.indirect.gather [hbm4b:s1+s26], $0x80, s4, s26, $0xb8;
	[tilespmem:$0x1E400] =	vst v63  }
0x25: {  	s8 =	sor.u32 $0x1C04, s8;
	s9 =	sshrl.u32 s11, $0x3  }
0x26: {  	[tilespmem:s29], [sflag:$0x1] =	stream.indirect.gather [hbm4b:s1+s26], $0x80, s26, s26, $0xb8;
	[tilespmem:$0x1E400] =	vst v63  }
0x27: {  	[spmem:s9], [sflag:s8] =	dma.local [hbm:s6], $0x2700  }
0x28: {  	_ =	swait.ge [sflag:s23], $0x2700  }
0x29: {  	[sflag:s23] =	ssyncset.done $0x0;
	s10 =	rddreg [dreg:$0x7]  }
0x2a: {  	s11 =	simm.s32 @!p0 $0x4;
	[sflag:s23] =	ssyncadd.s32 $0xFFFFD900;
	s10 =	sshrl.u32 @!p0 s10, $0x3  }
0x2b: {  	[spmem:s10], [sflag:s8] =	dma.local @!p0 [hbm:s6], $0x100  }
0x2c: {  	_ =	swait.ge @!p0 [sflag:s11], $0x100  }
0x2d: {  	[sflag:s11] =	ssyncset.done @!p0 $0x0  }
0x2e: {  	[sflag:s11] =	ssyncadd.s32 @!p0 $0xFFFFFF00  }
0x2f: {  	[bflag:$0x0] =	sbarrier.arrive $0xFFFF  }
0x30: {  	_ =	swait.ge [sflag:s30], $0x2800  }
0x31: {  	[sflag:s30] =	ssyncset.done $0x0  }
0x32: {  	[sflag:s30] =	ssyncadd.s32 $0xFFFFD800  }
0x33: {  	_ =	swait.ge [sflag:s31], $0x50  }
0x34: {  	[sflag:s31] =	ssyncset.done $0x0  }
0x35: {  	[sflag:s31] =	ssyncadd.s32 $0xFFFFFFB0  }
0x36: {  	[spmem:s3] =	stream.indirect.scatter.add.f32 [tilespmem:s28], [sflag:$0x2], $0x80, s24, s26, $0xb8;
	[tilespmem:$0x1E400] =	vst v63  }
0x37: {  	s12 =	rddreg [dreg:$0x8]  }
0x38: {  	[tilespmem:s2], [sflag:$0x3] =	stream.linear.gather [hbm4b:s12+s4], $0x50, $0x38;
	[tilespmem:$0x1E400] =	vst v63  }
0x39: {  	s13 =	simm.s32 $0xA0  }
0x3a: {  	[tilespmem:s21], [sflag:$0x1] =	stream.indirect.gather [hbm4b:s1+s26], $0x80, s13, s26, $0xb8;
	[tilespmem:$0x1E400] =	vst v63  }
0x3b: {  	_ =	swait.ge [sflag:s30], $0x2800  }
0x3c: {  	[sflag:s30] =	ssyncset.done $0x0  }
0x3d: {  	[sflag:s30] =	ssyncadd.s32 $0xFFFFD800  }
0x3e: {  	_ =	swait.ge [sflag:s31], $0x50  }
0x3f: {  	[sflag:s31] =	ssyncset.done $0x0  }
0x40: {  	[sflag:s31] =	ssyncadd.s32 $0xFFFFFFB0  }
0x41: {  	[spmem:s3] =	stream.indirect.scatter.add.f32 [tilespmem:s29], [sflag:$0x2], $0x80, s25, s26, $0xb8;
	[tilespmem:$0x1E400] =	vst v63  }
0x42: {  	_ =	swait.ge [sflag:s22], $0x2800  }
0x43: {  	s14 =	sshrl.u32 s20, $0x3;
	[sflag:s22] =	ssyncset.done $0x0  }
0x44: {  	s11 =	sadd.s32 s5, s14;
	[sflag:s22] =	ssyncadd.s32 $0xFFFFD800  }
0x45: {  	[tilespmem:s24], [sflag:$0x3] =	stream.linear.gather [hbm4b:s11+s4], $0x50, $0x38;
	[tilespmem:$0x1E400] =	vst v63  }
0x46: {  	s15 =	simm.s32 $0xF0  }
0x47: {  	[tilespmem:s28], [sflag:$0x1] =	stream.indirect.gather [hbm4b:s1+s26], $0x80, s15, s26, $0xb8;
	[tilespmem:$0x1E400] =	vst v63  }
0x48: {  	_ =	swait.ge [sflag:s30], $0x2800  }
0x49: {  	[sflag:s30] =	ssyncset.done $0x0  }
0x4a: {  	[sflag:s30] =	ssyncadd.s32 $0xFFFFD800  }
0x4b: {  	_ =	swait.ge [sflag:s31], $0x50  }
0x4c: {  	[sflag:s31] =	ssyncset.done $0x0  }
0x4d: {  	[sflag:s31] =	ssyncadd.s32 $0xFFFFFFB0  }
0x4e: {  	[spmem:s3] =	stream.indirect.scatter.add.f32 [tilespmem:s21], [sflag:$0x2], $0x80, s2, s26, $0xb8;
	[tilespmem:$0x1E400] =	vst v63  }
0x4f: {  	_ =	swait.ge [sflag:s22], $0x2800  }
0x50: {  	[sflag:s22] =	ssyncset.done $0x0  }
0x51: {  	[sflag:s22] =	ssyncadd.s32 $0xFFFFD800  }
0x52: {  	[tilespmem:s25], [sflag:$0x3] =	stream.linear.gather [hbm4b:s19+s4], $0x50, $0x38;
	[tilespmem:$0x1E400] =	vst v63  }
0x53: {  	s16 =	simm.s32 $0x140  }
0x54: {  	[tilespmem:s29], [sflag:$0x1] =	stream.indirect.gather [hbm4b:s1+s26], $0x80, s16, s26, $0xb8;
	[tilespmem:$0x1E400] =	vst v63  }
0x55: {  	_ =	swait.ge [sflag:s30], $0x2800  }
0x56: {  	[sflag:s30] =	ssyncset.done $0x0  }
0x57: {  	[sflag:s30] =	ssyncadd.s32 $0xFFFFD800  }
0x58: {  	_ =	swait.ge [sflag:s31], $0x50  }
0x59: {  	[sflag:s31] =	ssyncset.done $0x0  }
0x5a: {  	[sflag:s31] =	ssyncadd.s32 $0xFFFFFFB0  }
0x5b: {  	[spmem:s3] =	stream.indirect.scatter.add.f32 [tilespmem:s28], [sflag:$0x2], $0x80, s24, s26, $0xb8;
	[tilespmem:$0x1E400] =	vst v63  }
0x5c: {  	s14 =	sadd.s32 $0x1E, s19;
	_ =	swait.ge [sflag:s22], $0x2800  }
0x5d: {  	s12 =	sadd.s32 $0xF0, s20;
	s13 =	sadd.s32 $0x1E, s18;
	[sflag:s22] =	ssyncset.done $0x0  }
0x5e: {  	s11 =	simm.s32 $0x3C0;
	s15 =	simm.s32 $0x190;
	[sflag:s22] =	ssyncadd.s32 $0xFFFFD800  }
0x5f: {  	[tilespmem:s2], [sflag:$0x3] =	stream.linear.gather [hbm4b:s18+s4], $0x50, $0x38;
	[tilespmem:$0x1E400] =	vst v63  }
.LBB2_2:
0x60: {  	[tilespmem:s21], [sflag:$0x1] =	stream.indirect.gather [hbm4b:s1+s26], $0x80, s15, s26, $0xb8;
	[tilespmem:$0x1E400] =	vst v63  }
0x61: {  	s15 =	smov.u32 s11  }
0x62: {  	p1 =	sne.s32 s11, $0x9240;
	s11 =	sadd.s32 $0x3C0, s11;
	_ =	swait.ge [sflag:s30], $0x2800  }
0x63: {  	[sflag:s30] =	ssyncset.done $0x0  }
0x64: {  	[sflag:s30] =	ssyncadd.s32 $0xFFFFD800  }
0x65: {  	_ =	swait.ge [sflag:s31], $0x50  }
0x66: {  	[sflag:s31] =	ssyncset.done $0x0  }
0x67: {  	[sflag:s31] =	ssyncadd.s32 $0xFFFFFFB0  }
0x68: {  	[spmem:s3] =	stream.indirect.scatter.add.f32 [tilespmem:s29], [sflag:$0x2], $0x80, s25, s26, $0xb8;
	[tilespmem:$0x1E400] =	vst v63  }
0x69: {  	_ =	swait.ge [sflag:s22], $0x2800  }
0x6a: {  	s16 =	sshrl.u32 s12, $0x3;
	[sflag:s22] =	ssyncset.done $0x0  }
0x6b: {  	s16 =	sadd.s32 s5, s16;
	s15 =	sshra.s32 s15, $0x2;
	[sflag:s22] =	ssyncadd.s32 $0xFFFFD800  }
0x6c: {  	[tilespmem:s24], [sflag:$0x3] =	stream.linear.gather [hbm4b:s16+s4], $0x50, $0x38;
	[tilespmem:$0x1E400] =	vst v63  }
0x6d: {  	s16 =	sadd.s32 $0xF0, s15  }
0x6e: {  	[tilespmem:s28], [sflag:$0x1] =	stream.indirect.gather [hbm4b:s1+s26], $0x80, s16, s26, $0xb8;
	[tilespmem:$0x1E400] =	vst v63  }
0x6f: {  	_ =	swait.ge [sflag:s30], $0x2800  }
0x70: {  	[sflag:s30] =	ssyncset.done $0x0  }
0x71: {  	[sflag:s30] =	ssyncadd.s32 $0xFFFFD800  }
0x72: {  	_ =	swait.ge [sflag:s31], $0x50  }
0x73: {  	[sflag:s31] =	ssyncset.done $0x0  }
0x74: {  	[sflag:s31] =	ssyncadd.s32 $0xFFFFFFB0  }
0x75: {  	[spmem:s3] =	stream.indirect.scatter.add.f32 [tilespmem:s21], [sflag:$0x2], $0x80, s2, s26, $0xb8;
	[tilespmem:$0x1E400] =	vst v63  }
0x76: {  	_ =	swait.ge [sflag:s22], $0x2800  }
0x77: {  	[sflag:s22] =	ssyncset.done $0x0  }
0x78: {  	[sflag:s22] =	ssyncadd.s32 $0xFFFFD800  }
0x79: {  	[tilespmem:s25], [sflag:$0x3] =	stream.linear.gather [hbm4b:s14+s4], $0x50, $0x38;
	[tilespmem:$0x1E400] =	vst v63  }
0x7a: {  	s16 =	sadd.s32 $0x140, s15  }
0x7b: {  	[tilespmem:s29], [sflag:$0x1] =	stream.indirect.gather [hbm4b:s1+s26], $0x80, s16, s26, $0xb8;
	[tilespmem:$0x1E400] =	vst v63  }
0x7c: {  	_ =	swait.ge [sflag:s30], $0x2800  }
0x7d: {  	[sflag:s30] =	ssyncset.done $0x0  }
0x7e: {  	[sflag:s30] =	ssyncadd.s32 $0xFFFFD800  }
0x7f: {  	_ =	swait.ge [sflag:s31], $0x50  }
0x80: {  	[sflag:s31] =	ssyncset.done $0x0  }
0x81: {  	[sflag:s31] =	ssyncadd.s32 $0xFFFFFFB0  }
0x82: {  	[spmem:s3] =	stream.indirect.scatter.add.f32 [tilespmem:s28], [sflag:$0x2], $0x80, s24, s26, $0xb8;
	[tilespmem:$0x1E400] =	vst v63  }
.Ltmp0:
0x83: {  	_ =	swait.ge [sflag:s22], $0x2800;
	(pc) =	sbr.rel @p1 .LBB2_2-.Ltmp0, $4  }
0x84: {  	[sflag:s22] =	ssyncset.done $0x0  }
0x85: {  	s12 =	sadd.s32 $0xF0, s12;
	[sflag:s22] =	ssyncadd.s32 $0xFFFFD800  }
0x86: {  	[tilespmem:s2], [sflag:$0x3] =	stream.linear.gather [hbm4b:s13+s4], $0x50, $0x38;
	[tilespmem:$0x1E400] =	vst v63  }
0x87: {  	s15 =	sadd.s32 $0x190, s15;
	s14 =	sadd.s32 $0x1E, s14;
	s13 =	sadd.s32 $0x1E, s13  }
0x88: {  	[tilespmem:s21], [sflag:$0x1] =	stream.indirect.gather [hbm4b:s1+s26], $0x80, s15, s26, $0xb8;
	[tilespmem:$0x1E400] =	vst v63  }
0x89: {  	_ =	swait.ge [sflag:s30], $0x2800  }
0x8a: {  	[sflag:s30] =	ssyncset.done $0x0  }
0x8b: {  	[sflag:s30] =	ssyncadd.s32 $0xFFFFD800  }
0x8c: {  	_ =	swait.ge [sflag:s31], $0x50  }
0x8d: {  	[sflag:s31] =	ssyncset.done $0x0  }
0x8e: {  	[sflag:s31] =	ssyncadd.s32 $0xFFFFFFB0  }
0x8f: {  	[spmem:s3] =	stream.indirect.scatter.add.f32 [tilespmem:s29], [sflag:$0x2], $0x80, s25, s26, $0xb8;
	[tilespmem:$0x1E400] =	vst v63  }
0x90: {  	_ =	swait.ge [sflag:s22], $0x2800  }
0x91: {  	[sflag:s22] =	ssyncset.done $0x0  }
0x92: {  	s11 =	rddreg [dreg:$0xc];
	[sflag:s22] =	ssyncadd.s32 $0xFFFFD800  }
0x93: {  	[tilespmem:s24], [sflag:$0x3] =	stream.linear.gather [hbm4b:s11+s4], $0x50, $0x38;
	[tilespmem:$0x1E400] =	vst v63  }
0x94: {  	s13 =	simm.s32 $0x2670  }
0x95: {  	[tilespmem:s28], [sflag:$0x1] =	stream.indirect.gather [hbm4b:s1+s26], $0x80, s13, s26, $0xb8;
	[tilespmem:$0x1E400] =	vst v63  }
0x96: {  	_ =	swait.ge [sflag:s30], $0x2800  }
0x97: {  	[sflag:s30] =	ssyncset.done $0x0  }
0x98: {  	[sflag:s30] =	ssyncadd.s32 $0xFFFFD800  }
0x99: {  	_ =	swait.ge [sflag:s31], $0x50  }
0x9a: {  	[sflag:s31] =	ssyncset.done $0x0  }
0x9b: {  	[sflag:s31] =	ssyncadd.s32 $0xFFFFFFB0  }
0x9c: {  	[spmem:s3] =	stream.indirect.scatter.add.f32 [tilespmem:s21], [sflag:$0x2], $0x80, s2, s26, $0xb8;
	[tilespmem:$0x1E400] =	vst v63  }
0x9d: {  	_ =	swait.ge [sflag:s22], $0x2800  }
0x9e: {  	[sflag:s22] =	ssyncset.done $0x0  }
0x9f: {  	[sflag:s22] =	ssyncadd.s32 $0xFFFFD800  }
0xa0: {  	[tilespmem:s25], [sflag:$0x3] =	stream.linear.gather [hbm4b:s17+s4], $0x50, $0x38;
	[tilespmem:$0x1E400] =	vst v63  }
0xa1: {  	s14 =	simm.s32 $0x26C0  }
0xa2: {  	[tilespmem:s29], [sflag:$0x1] =	stream.indirect.gather [hbm4b:s1+s26], $0x80, s14, s26, $0xb8;
	[tilespmem:$0x1E400] =	vst v63  }
0xa3: {  	_ =	swait.ge [sflag:s30], $0x2800  }
0xa4: {  	[sflag:s30] =	ssyncset.done $0x0  }
0xa5: {  	[sflag:s30] =	ssyncadd.s32 $0xFFFFD800  }
0xa6: {  	_ =	swait.ge [sflag:s31], $0x50  }
0xa7: {  	[sflag:s31] =	ssyncset.done $0x0  }
0xa8: {  	[sflag:s31] =	ssyncadd.s32 $0xFFFFFFB0  }
0xa9: {  	[spmem:s3] =	stream.indirect.scatter.add.f32 [tilespmem:s28], [sflag:$0x2], $0x80, s24, s26, $0xb8;
	[tilespmem:$0x1E400] =	vst v63  }
0xaa: {  	_ =	swait.ge [sflag:s22], $0x2800  }
0xab: {  	[sflag:s22] =	ssyncset.done $0x0  }
0xac: {  	[sflag:s22] =	ssyncadd.s32 $0xFFFFD800  }
0xad: {  	_ =	swait.ge [sflag:s30], $0x2800  }
0xae: {  	[sflag:s30] =	ssyncset.done $0x0  }
0xaf: {  	[sflag:s30] =	ssyncadd.s32 $0xFFFFD800  }
0xb0: {  	_ =	swait.ge [sflag:s31], $0x50  }
0xb1: {  	[sflag:s31] =	ssyncset.done $0x0  }
0xb2: {  	[sflag:s31] =	ssyncadd.s32 $0xFFFFFFB0  }
0xb3: {  	[spmem:s3] =	stream.indirect.scatter.add.f32 [tilespmem:s29], [sflag:$0x2], $0x80, s25, s26, $0xb8;
	[tilespmem:$0x1E400] =	vst v63  }
0xb4: {  	_ =	swait.ge [sflag:s22], $0x2800  }
0xb5: {  	[sflag:s22] =	ssyncset.done $0x0  }
0xb6: {  	[sflag:s22] =	ssyncadd.s32 $0xFFFFD800  }
0xb7: {  	_ =	swait.ge [sflag:s22], $0x2800  }
0xb8: {  	[sflag:s22] =	ssyncset.done $0x0  }
0xb9: {  	[sflag:s22] =	ssyncadd.s32 $0xFFFFD800  }
0xba: {  	[bflag:$0x0] =	sbarrier.arrive $0xFFFF  }
0xbb: {  	s15 =	rddreg [dreg:$0x9]  }
0xbc: {  	[hbm:s15], [sflag:s8] =	dma.local [spmem:s9], $0x2700  }
0xbd: {  	_ =	swait.ge [sflag:s23], $0x2700  }
0xbe: {  	[sflag:s23] =	ssyncset.done $0x0  }
0xbf: {  	s9 =	rddreg [dreg:$0xa];
	[sflag:s23] =	ssyncadd.s32 $0xFFFFD900  }
0xc0: {  	[hbm:s9], [sflag:s8] =	dma.local @!p0 [spmem:s10], $0x100  }
0xc1: {  	s8 =	simm.s32 @!p0 $0x4  }
0xc2: {  	_ =	swait.ge @!p0 [sflag:s8], $0x100  }
0xc3: {  	s0 =	sadd.s32 $0x1, s0;
	s16 =	rddreg [dreg:$0xb]  }
0xc4: {  	p1 =	sne.s32 s0, s16  }
.Ltmp1:
0xc5: {  	_ = 	snop;
	(pc) =	sbr.rel @p1 .LBB2_1-.Ltmp1, $3  }
0xc6: {  	_ =	sdelay $0x1  }
0xc7: {  	[sflag:s8] =	ssyncset.done @!p0 $0x0  }
0xc8: {  	[sflag:s8] =	ssyncadd.s32 @!p0 $0xFFFFFF00  }
0xc9: {  	_ =	sfence.sel $0x180000  }
0xca: {  	[bflag:$0x0] =	sbarrier.arrive $0xFFFF  }
0xcb: {  	_ =	strace $0x90000047  }
0xcc: {  	s0 =	stileid.u32;
	[bflag:$0x2] =	sbarrier.arrive $0xFFFF  }
0xcd: {  	p0 =	sne.s32 s0, $0x0;
	s0 =	rddreg [dreg:$0x3]  }
0xce: {  	s0 =	sadd.s32 @!p0 $0x100000, s0  }
0xcf: {  	[sflag:s0] =	ssyncadd.tile.s32 @!p0 $0x1;
	_ =	shalt  }
.Lfunc_end2:
_tile_overlayer_lowered:
.L_overlay_start_2:
0xd0: {  	(tag) =	ssettag $0x2  }
0xd1: {  	s0 =	rddreg [dreg:$0x0];
	s2 =	stileid.u32  }
0xd2: {  	s1 =	rddreg [dreg:$0x1];
	p0 =	sne.s32 s2, $0x0  }
0xd3: {  	s3 =	rddreg [dreg:$0x2];
	[bflag:$0x3] =	sbarrier.arrive $0xFFFF;
	s2 =	simm.s32 @!p0 $0x1C04  }
0xd4: {  	[timem:s3], [sflag:s2] =	dma.local @!p0 [hbm:s0], s1  }
0xd5: {  	s0 =	simm.s32 @!p0 $0x4  }
0xd6: {  	_ =	swait.ge @!p0 [sflag:s0], s1  }
0xd7: {  	s1 =	ssub.s32 @!p0 $0x0, s1;
	[sflag:s0] =	ssyncset.done @!p0 $0x0  }
0xd8: {  	[sflag:s0] =	ssyncadd.s32 @!p0 s1  }
0xd9: {  	[bflag:$0x3] =	sbarrier.arrive $0xFFFF  }
0xda: {  	_ =	shalt  }

// kernel: kernel.9.cloned.1.call-start
scs
__scs_entry_jumppad:
0x0: {  	(pc) =	sbr.rel $0x88, $3  }
0x1: {  	(tag) =	ssettag $0x0;
	lr =	simm.s32 $0x1  }
0x2: {  	[smem:$0x3F96] =	sst lr;
	_ =	strace $0xD0000000  }
0x3: {  	_ = 	snop  }
0x4: {  	_ = 	snop  }
0x5: {  	_ = 	snop  }
0x6: {  	_ = 	snop  }
0x7: {  	_ = 	snop  }
__scs_overlays_trampoline_lowered:
0x8: {  	[smem:$0x3FA5] =	sst s0  }
0x9: {  	[smem:$0x3FA6] =	sst s1  }
0xa: {  	[smem:$0x3FA7] =	sst s2  }
0xb: {  	[smem:$0x3FA8] =	sst s3  }
0xc: {  	[smem:$0x3FA9] =	sst s4  }
0xd: {  	[smem:$0x3FAA] =	sst s5  }
0xe: {  	[smem:$0x3FAB] =	sst s6  }
0xf: {  	[smem:$0x3FAC] =	sst s7  }
0x10: {  	[smem:$0x3FAD] =	sst s8  }
0x11: {  	[smem:$0x3FAE] =	sst s9;
	s0 =	simm.s32 @!p0 $0x0  }
0x12: {  	s1 =	sld [smem:$0x3F94];
	s0 =	simm.s32 @p0 $0x1  }
0x13: {  	[smem:$0x3FAF] =	sst s0;
	s0 =	simm.s32 @!p1 $0x0  }
0x14: {  	s2 =	sld [smem:$0x3F93];
	s0 =	simm.s32 @p1 $0x1  }
0x15: {  	[smem:$0x3FB0] =	sst s0;
	s0 =	simm.s32 @!p2 $0x0  }
0x16: {  	s3 =	sld [smem:$0x3FDB];
	s0 =	simm.s32 @p2 $0x1  }
0x17: {  	s4 =	simm.s32 $0x1BF5;
	[smem:$0x3FB2] =	sst s0  }
0x18: {  	s0 =	sld [smem:$0x3F95];
	_ =	swait.ge [sflag:s4], $0x0  }
0x19: {  	s7 =	sld [smem:$0x3F96]  }
0x1a: {  	s8 =	sadd.s32 $0xFFFFE003, lr  }
0x1b: {  	s9 =	sadd.s32 $0xFFFFFEF7, lr;
	s5 =	simm.s32 $0xFFFFFFFF;
	p2 =	slt.u32 s8, $0xFFFFF086  }
0x1c: {  	p1 =	slt.u32 s9, $0xF7A;
	s5 =	simm.s32 @!p2 $0x0  }
0x1d: {  	s5 =	simm.s32 @p1 $0x1;
	p0 =	seq.s32 s7, s2  }
0x1e: {  	s7 =	smul.u32 @!p0 $0xF7A, s2;
	p2 =	seq.s32 @!p0 s5, $0x0  }
0x1f: {  	s9 =	smul.u32 $0xF7A, s1;
	s8 =	simm.s32 @!p0 $0x1BF5;
	p2 =	por !p2, p0  }
0x20: {  	[sflag:s8] =	ssyncset.s32 @!p0 $0xFFFFF086;
	s6 =	sadd.s32 @!p0 s3, s7;
	s7 =	simm.s32 @!p0 $0x108  }
0x21: {  	s3 =	sadd.s32 s3, s9;
	s6 =	sadd.s32 @!p0 $0x88, s6;
	s7 =	simm.s32 @p2 $0x1082  }
0x22: {  	[simem:s7], [sflag:s8] =	dma.local @!p0 [hbm:s6], $0xF7A  }
0x23: {  	s9 =	sor.u32 $0xD0000000, s2;
	s6 =	simm.s32 $0x108;
	_ =	swait.ge @!p0 [sflag:s8], $0x0  }
0x24: {  	s3 =	sadd.s32 $0x88, s3;
	s6 =	simm.s32 @!p1 $0x1082;
	[sflag:s4] =	ssyncset.s32 $0xFFFFF086  }
0x25: {  	[simem:s6], [sflag:s4] =	dma.local [hbm:s3], $0xF7A  }
0x26: {  	[smem:$0x3F96] =	sst s1;
	(tag) =	ssettag s2;
	_ =	strace s9  }
0x27: {  	s1 =	sld [smem:$0x3FA6]  }
0x28: {  	s2 =	sld [smem:$0x3FA7]  }
0x29: {  	s4 =	sld [smem:$0x3FA9]  }
0x2a: {  	p0 =	seq.s32 s5, $0x0;
	s5 =	sld [smem:$0x3FAA]  }
0x2b: {  	s6 =	sld [smem:$0x3FAB]  }
0x2c: {  	s7 =	sld [smem:$0x3FAC]  }
0x2d: {  	s3 =	simm.s32 $0x108;
	s8 =	sld [smem:$0x3FAD]  }
0x2e: {  	s3 =	simm.s32 @!p0 $0x1082;
	s9 =	sld [smem:$0x3FAE]  }
0x2f: {  	lr =	sadd.s32 s0, s3;
	s0 =	sld [smem:$0x3FA5]  }
0x30: {  	s3 =	sld [smem:$0x3FA8]  }
0x31: {  	[smem:$0x3FB1] =	sst s10  }
0x32: {  	s10 =	sld [smem:$0x3FAF];
	_ =	sdelay $0x3  }
0x33: {  	p0 =	seq.s32 s10, $0x1;
	s10 =	sld [smem:$0x3FB1];
	_ =	sdelay $0x3  }
0x34: {  	[smem:$0x3FB1] =	sst s10  }
0x35: {  	s10 =	sld [smem:$0x3FB0];
	_ =	sdelay $0x3  }
0x36: {  	p1 =	seq.s32 s10, $0x1;
	s10 =	sld [smem:$0x3FB1];
	_ =	sdelay $0x3  }
0x37: {  	[smem:$0x3FB1] =	sst s10  }
0x38: {  	s10 =	sld [smem:$0x3FB2]  }
0x39: {  	_ = 	snop;
	(pc) =	sbr.ind lr, $3  }
0x3a: {  	_ = 	snop  }
0x3b: {  	_ = 	snop  }
0x3c: {  	p2 =	seq.s32 s10, $0x1;
	s10 =	sld [smem:$0x3FB1]  }
0x3d: {  	_ =	shalt  }
0x3e: {  	_ =	shalt  }
0x3f: {  	_ =	shalt  }
0x40: {  	_ =	shalt  }
0x41: {  	_ =	shalt  }
0x42: {  	_ =	shalt  }
0x43: {  	_ =	shalt  }
0x44: {  	_ =	shalt  }
0x45: {  	_ =	shalt  }
0x46: {  	_ =	shalt  }
0x47: {  	_ =	shalt  }
0x48: {  	_ =	shalt  }
0x49: {  	_ =	shalt  }
0x4a: {  	_ =	shalt  }
0x4b: {  	_ =	shalt  }
0x4c: {  	_ =	shalt  }
0x4d: {  	_ =	shalt  }
0x4e: {  	_ =	shalt  }
0x4f: {  	_ =	shalt  }
0x50: {  	_ =	shalt  }
0x51: {  	_ =	shalt  }
0x52: {  	_ =	shalt  }
0x53: {  	_ =	shalt  }
0x54: {  	_ =	shalt  }
0x55: {  	_ =	shalt  }
0x56: {  	_ =	shalt  }
0x57: {  	_ =	shalt  }
0x58: {  	_ =	shalt  }
0x59: {  	_ =	shalt  }
0x5a: {  	_ =	shalt  }
0x5b: {  	_ =	shalt  }
0x5c: {  	_ =	shalt  }
0x5d: {  	_ =	shalt  }
0x5e: {  	_ =	shalt  }
0x5f: {  	_ =	shalt  }
0x60: {  	_ =	shalt  }
0x61: {  	_ =	shalt  }
0x62: {  	_ =	shalt  }
0x63: {  	_ =	shalt  }
0x64: {  	_ =	shalt  }
0x65: {  	_ =	shalt  }
0x66: {  	_ =	shalt  }
0x67: {  	_ =	shalt  }
0x68: {  	_ =	shalt  }
0x69: {  	_ =	shalt  }
0x6a: {  	_ =	shalt  }
0x6b: {  	_ =	shalt  }
0x6c: {  	_ =	shalt  }
0x6d: {  	_ =	shalt  }
0x6e: {  	_ =	shalt  }
0x6f: {  	_ =	shalt  }
0x70: {  	_ =	shalt  }
0x71: {  	_ =	shalt  }
0x72: {  	_ =	shalt  }
0x73: {  	_ =	shalt  }
0x74: {  	_ =	shalt  }
0x75: {  	_ =	shalt  }
0x76: {  	_ =	shalt  }
0x77: {  	_ =	shalt  }
0x78: {  	_ =	shalt  }
0x79: {  	_ =	shalt  }
0x7a: {  	_ =	shalt  }
0x7b: {  	_ =	shalt  }
0x7c: {  	_ =	shalt  }
0x7d: {  	_ =	shalt  }
0x7e: {  	_ =	shalt  }
0x7f: {  	_ =	shalt  }
0x80: {  	_ =	shalt  }
0x81: {  	_ =	shalt  }
0x82: {  	_ =	shalt  }
0x83: {  	_ =	shalt  }
0x84: {  	_ =	shalt  }
0x85: {  	_ =	shalt  }
0x86: {  	_ =	shalt  }
0x87: {  	_ =	shalt  }
.Lfunc_end0:
.L_simem_size_0:
called_computation.1_lowered:
.L_overlay_start_0:
0x88: {  	s2 =	sld [smem:$0x3FD9]  }
0x89: {  	s3 =	sld [smem:$0x3FFE];
	_ =	sdelay $0x1  }
0x8a: {  	s1 =	srdreg.scid  }
0x8b: {  	s0 =	sand.u32 $0x1, s1  }
0x8c: {  	s17 =	sshll.u32 s0, $0xA;
	s2 =	sadd.s32 s3, s2  }
0x8d: {  	s2 =	sadd.s32 s2, s17  }
0x8e: {  	[smem:$0x3FBD] =	sst s2  }
0x8f: {  	_ = 	snop  }
0x90: {  	s2 =	sld [smem:$0x3FD0];
	(tm) =	ssettm $0x1  }
0x91: {  	s18 =	sld [smem:$0x3FFB];
	_ =	sdelay $0x3  }
0x92: {  	_ =	strace s18  }
0x93: {  	s3 =	sld [smem:$0x3FFC];
	_ =	sdelay $0x3  }
0x94: {  	_ =	strace s3  }
0x95: {  	s3 =	sld [smem:$0x3FFD];
	_ =	sdelay $0x3  }
0x96: {  	_ =	strace s3  }
0x97: {  	_ =	strace $0x8FFFFFFF  }
0x98: {  	s19 =	sld [smem:$0x3FDB];
	_ =	sdelay $0x1  }
0x99: {  	s4 =	simm.s32 $_scs_section_size  }
0x9a: {  	s5 =	simm.s32 $_size__tile_overlayer_lowered;
	s6 =	simm.s32 $_tile_overlayer_lowered  }
0x9b: {  	s22 =	simm.s32 $0x1BFF;
	s21 =	sshll.u32 s6, $0x1;
	s3 =	sadd.s32 s4, s19  }
0x9c: {  	s7 =	simm.s32 $0x0;
	s20 =	sshll.u32 s5, $0x1;
	s5 =	sadd.s32 s21, s3  }
0x9d: {  	[timem:s7], [sflag:s22] =	dma.local [hbm:s5], s20  }
0x9e: {  	_ =	swait.ge [sflag:s22], s20  }
0x9f: {  	s4 =	ssub.s32 $0x0, s20;
	[sflag:s22] =	ssyncset.done $0x0  }
0xa0: {  	[sflag:s22] =	ssyncadd.s32 s4;
	_ =	sdelay $0x1  }
0xa1: {  	s23 =	simm.s32 $0x1B8B  }
0xa2: {  	_ =	swait.ge [sflag:s23], $0x1  }
0xa3: {  	[sflag:s23] =	ssyncset.done $0x0  }
0xa4: {  	s25 =	simm.s32 $0x1B8E;
	s24 =	sld [smem:$0x3FFE];
	[sflag:s23] =	ssyncadd.s32 $0xFFFFFFFF  }
0xa5: {  	s26 =	simm.s32 $execute0_lowered;
	[smem:$0x3FD2] =	sst s25  }
0xa6: {  	s5 =	sshll.u32 s26, $0x1;
	_ =	strace $0x80000049;
	[dreg:$0x1] =	wrdreg $0xFFFFFFFF  }
0xa7: {  	s28 =	simm.s32 $_size_execute0_lowered;
	s3 =	sadd.s32 s3, s5;
	[dreg:$0x0] =	wrdreg $0x0  }
0xa8: {  	s5 =	sshll.u32 s28, $0x1;
	[dreg:$0x2] =	wrdreg s3  }
0xa9: {  	[dreg:$0x3] =	wrdreg s5  }
0xaa: {  	[dreg:$0x4] =	wrdreg $0xC0  }
0xab: {  	_ =	task [dreg:s7], $0x5FFFF  }
0xac: {  	[dreg:$0x1] =	wrdreg $0xFFFFFFFF  }
0xad: {  	[dreg:$0x0] =	wrdreg $0x60  }
0xae: {  	[dreg:$0x2] =	wrdreg s2  }
0xaf: {  	[dreg:$0x3] =	wrdreg s24  }
0xb0: {  	[dreg:$0x4] =	wrdreg $0xAB800  }
0xb1: {  	[dreg:$0x5] =	wrdreg $0x9  }
0xb2: {  	_ =	task.clear_ibuf [dreg:s7], $0x6FFFF;
	_ =	strace $0x90000049  }
0xb3: {  	s29 =	simm.s32 $0x9;
	_ =	strace $0x8000004B  }
0xb4: {  	_ =	swait.ge [sflag:s29], $0x1  }
0xb5: {  	[sflag:s29] =	ssyncadd.s32 $0xFFFFFFFF  }
0xb6: {  	_ =	strace $0x9000004B  }
0xb7: {  	_ =	sfence  }
0xb8: {  	s30 =	sld [smem:$0x0];
	_ =	sdelay $0x2  }
0xb9: {  	s31 =	sshll.u32 s1, $0xD;
	s1 =	sshrl.u32 s1, $0x2  }
0xba: {  	s3 =	sand.u32 $0x4000, s31;
	s1 =	sadd.s32 s1, s30  }
0xbb: {  	s0 =	sor.u32 s3, s0;
	s1 =	sshll.u32 s1, $0x11  }
0xbc: {  	s0 =	sor.u32 s1, s0  }
0xbd: {  	s0 =	sadd.s32 $0x8F2B, s0  }
0xbe: {  	[sflag:s0] =	ssyncadd.remote.s32 $0x1  }
0xbf: {  	_ =	sfence.sel $0xFFFF  }
0xc0: {  	[dreg:$0x0] =	wrdreg $0xFFFFFFFF;
	(pc) =	sbr.abs _section_cstart, $3  }
0xc1: {  	[dreg:$0x1] =	wrdreg $0xFFFFFFFF  }
0xc2: {  	_ =	task.clear_ibuf [dreg:s7], $0x2FFFF;
	_ =	strace $0x9FFFFFFF  }
0xc3: {  	(tm) =	ssettm $0x7FFFFFFF  }
tec
execute0_lowered:
.L_overlay_start_1:
0x0: {  	(tag) =	ssettag $0x1  }
0x1: {  	s0 =	srdreg.scid;
	s1 =	rddreg [dreg:$0x0]  }
0x2: {  	s13 =	stileid.u32;
	s7 =	rddreg [dreg:$0x1];
	s28 =	simm.s32 $0x3380  }
0x3: {  	s29 =	simm.s32 $0x5B80;
	s30 =	simm.s32 $0x1;
	s11 =	smul.u32 $0x4E000, s13  }
0x4: {  	s31 =	simm.s32 $0x3;
	s0 =	sand.u32 $0x1, s0;
	s16 =	smul.u32 $0x13800, s13  }
0x5: {  	s2 =	sshll.u32 s13, $0x1;
	s3 =	sshrl.u32 s13, $0x2;
	s20 =	smul.u32 $0x4E20, s13  }
0x6: {  	s10 =	sadd.s32 $0x18400, s7;
	p0 =	sne.s32 s13, $0xF;
	s5 =	smul.u32 $0x13C00, s3  }
0x7: {  	s2 =	sor.u32 s0, s2;
	s3 =	rddreg [dreg:$0x2];
	s12 =	smul.u32 $0x138800, s0  }
0x8: {  	s9 =	ssub.s32 $0x2, s0;
	s0 =	smul.u32 $0x2710, s0;
	s4 =	sshll.u32 s2, $0x7  }
0x9: {  	s2 =	smul.u32 $0x2710, s2;
	s14 =	sshrl.u32 s9, $0x1;
	s15 =	sshrl.u32 s11, $0x2  }
0xa: {  	s18 =	sadd.s32 $0x138000, s3;
	s6 =	sand.u32 $0x380, s4;
	s4 =	simm.s32 $0x0  }
0xb: {  	s9 =	ssub.s32 s9, s14;
	s19 =	sadd.s32 s16, s12;
	s21 =	sshrl.u32 s12, $0x3  }
0xc: {  	s0 =	sadd.s32 s0, s20;
	s5 =	sor.u32 s5, s6;
	[smem:$0x7FF] =	sst s4  }
0xd: {  	s6 =	sadd.s32 $0x15C00, s7;
	s2 =	sshrl.u32 s2, $0x3;
	s23 =	sadd.s32 s10, s21  }
0xe: {  	s24 =	smax.u32 s9, $0x1;
	s26 =	sadd.s32 $0x190, s0;
	s20 =	sadd.s32 $0xF0, s0  }
0xf: {  	s5 =	sshrl.u32 s5, $0x3;
	_ =	strace $0x8000004A;
	[dreg:$0x7] =	wrdreg s18  }
0x10: {  	s21 =	simm.s32 $0x8380;
	[dreg:$0xb] =	wrdreg s24;
	s8 =	sadd.s32 s5, s7  }
0x11: {  	s24 =	simm.s32 $0x2780;
	s5 =	sadd.s32 $0x2000, s7;
	s8 =	sadd.s32 $0xBE00, s8  }
0x12: {  	s7 =	sadd.s32 s5, s2;
	s2 =	sadd.s32 s15, s3;
	[dreg:$0x4] =	wrdreg s8  }
0x13: {  	s17 =	sadd.s32 $0xA, s7;
	[dreg:$0x6] =	wrdreg s2;
	s2 =	sshrl.u32 s19, $0x3  }
0x14: {  	s22 =	sadd.s32 $0x14, s7;
	s25 =	sadd.s32 $0x4CE, s7;
	[dreg:$0x5] =	wrdreg s17  }
0x15: {  	s8 =	sadd.s32 $0x140, s0;
	s0 =	simm.s32 $0x0;
	[dreg:$0x8] =	wrdreg s22  }
0x16: {  	s2 =	sadd.s32 s10, s2;
	[dreg:$0xc] =	wrdreg s25;
	s17 =	sadd.s32 $0x4D8, s7  }
0x17: {  	s8 =	sshrl.u32 s8, $0x3;
	s25 =	simm.s32 $0x2B80;
	s22 =	simm.s32 $0x2  }
0x18: {  	[dreg:$0x9] =	wrdreg s2;
	s2 =	sadd.s32 $0x27000, s23;
	s19 =	sadd.s32 s8, s5  }
0x19: {  	s23 =	simm.s32 $0x4;
	[dreg:$0xa] =	wrdreg s2;
	s2 =	sshrl.u32 s26, $0x3  }
0x1a: {  	s26 =	simm.s32 $0x50;
	s18 =	sadd.s32 s2, s5;
	s2 =	simm.s32 $0x2F80  }
.LBB2_1:
0x1b: {  	s8 =	rddreg [dreg:$0x4];
	s9 =	simm.s32 $0x80;
	s10 =	simm.s32 $0x400  }
0x1c: {  	[tilespmem:s4], [sflag:$0x4] =	stream.strided.gather [hbm4b:s8+s9], $0x2780, s10, s9, $0x38;
	[tilespmem:$0x1E400] =	vst v63  }
0x1d: {  	_ =	swait.ge [sflag:s23], $0x2780  }
0x1e: {  	[sflag:s23] =	ssyncset.done $0x0  }
0x1f: {  	[sflag:s23] =	ssyncadd.s32 $0xFFFFD880  }
0x20: {  	[tilespmem:s24], [sflag:$0x3] =	stream.linear.gather [hbm4b:s7+s4], $0x50, $0x38;
	[tilespmem:$0x1E400] =	vst v63  }
0x21: {  	s10 =	stileid.u32;
	s9 =	rddreg [dreg:$0x5]  }
0x22: {  	[tilespmem:s25], [sflag:$0x3] =	stream.linear.gather [hbm4b:s9+s4], $0x50, $0x38;
	[tilespmem:$0x1E400] =	vst v63  }
0x23: {  	s8 =	sshll.u32 s10, $0x6;
	s11 =	rddreg [dreg:$0x6]  }
0x24: {  	[tilespmem:s28], [sflag:$0x1] =	stream.indirect.gather [hbm4b:s1+s26], $0x80, s4, s26, $0xb8;
	[tilespmem:$0x1E400] =	vst v63  }
0x25: {  	s8 =	sor.u32 $0x1C04, s8;
	s9 =	sshrl.u32 s11, $0x3  }
0x26: {  	[tilespmem:s29], [sflag:$0x1] =	stream.indirect.gather [hbm4b:s1+s26], $0x80, s26, s26, $0xb8;
	[tilespmem:$0x1E400] =	vst v63  }
0x27: {  	[spmem:s9], [sflag:s8] =	dma.local [hbm:s6], $0x2700  }
0x28: {  	_ =	swait.ge [sflag:s23], $0x2700  }
0x29: {  	[sflag:s23] =	ssyncset.done $0x0;
	s10 =	rddreg [dreg:$0x7]  }
0x2a: {  	s11 =	simm.s32 @!p0 $0x4;
	[sflag:s23] =	ssyncadd.s32 $0xFFFFD900;
	s10 =	sshrl.u32 @!p0 s10, $0x3  }
0x2b: {  	[spmem:s10], [sflag:s8] =	dma.local @!p0 [hbm:s6], $0x100  }
0x2c: {  	_ =	swait.ge @!p0 [sflag:s11], $0x100  }
0x2d: {  	[sflag:s11] =	ssyncset.done @!p0 $0x0  }
0x2e: {  	[sflag:s11] =	ssyncadd.s32 @!p0 $0xFFFFFF00  }
0x2f: {  	[bflag:$0x0] =	sbarrier.arrive $0xFFFF  }
0x30: {  	_ =	swait.ge [sflag:s30], $0x2800  }
0x31: {  	[sflag:s30] =	ssyncset.done $0x0  }
0x32: {  	[sflag:s30] =	ssyncadd.s32 $0xFFFFD800  }
0x33: {  	_ =	swait.ge [sflag:s31], $0x50  }
0x34: {  	[sflag:s31] =	ssyncset.done $0x0  }
0x35: {  	[sflag:s31] =	ssyncadd.s32 $0xFFFFFFB0  }
0x36: {  	[spmem:s3] =	stream.indirect.scatter.add.f32 [tilespmem:s28], [sflag:$0x2], $0x80, s24, s26, $0xb8;
	[tilespmem:$0x1E400] =	vst v63  }
0x37: {  	s12 =	rddreg [dreg:$0x8]  }
0x38: {  	[tilespmem:s2], [sflag:$0x3] =	stream.linear.gather [hbm4b:s12+s4], $0x50, $0x38;
	[tilespmem:$0x1E400] =	vst v63  }
0x39: {  	s13 =	simm.s32 $0xA0  }
0x3a: {  	[tilespmem:s21], [sflag:$0x1] =	stream.indirect.gather [hbm4b:s1+s26], $0x80, s13, s26, $0xb8;
	[tilespmem:$0x1E400] =	vst v63  }
0x3b: {  	_ =	swait.ge [sflag:s30], $0x2800  }
0x3c: {  	[sflag:s30] =	ssyncset.done $0x0  }
0x3d: {  	[sflag:s30] =	ssyncadd.s32 $0xFFFFD800  }
0x3e: {  	_ =	swait.ge [sflag:s31], $0x50  }
0x3f: {  	[sflag:s31] =	ssyncset.done $0x0  }
0x40: {  	[sflag:s31] =	ssyncadd.s32 $0xFFFFFFB0  }
0x41: {  	[spmem:s3] =	stream.indirect.scatter.add.f32 [tilespmem:s29], [sflag:$0x2], $0x80, s25, s26, $0xb8;
	[tilespmem:$0x1E400] =	vst v63  }
0x42: {  	_ =	swait.ge [sflag:s22], $0x2800  }
0x43: {  	s14 =	sshrl.u32 s20, $0x3;
	[sflag:s22] =	ssyncset.done $0x0  }
0x44: {  	s11 =	sadd.s32 s5, s14;
	[sflag:s22] =	ssyncadd.s32 $0xFFFFD800  }
0x45: {  	[tilespmem:s24], [sflag:$0x3] =	stream.linear.gather [hbm4b:s11+s4], $0x50, $0x38;
	[tilespmem:$0x1E400] =	vst v63  }
0x46: {  	s15 =	simm.s32 $0xF0  }
0x47: {  	[tilespmem:s28], [sflag:$0x1] =	stream.indirect.gather [hbm4b:s1+s26], $0x80, s15, s26, $0xb8;
	[tilespmem:$0x1E400] =	vst v63  }
0x48: {  	_ =	swait.ge [sflag:s30], $0x2800  }
0x49: {  	[sflag:s30] =	ssyncset.done $0x0  }
0x4a: {  	[sflag:s30] =	ssyncadd.s32 $0xFFFFD800  }
0x4b: {  	_ =	swait.ge [sflag:s31], $0x50  }
0x4c: {  	[sflag:s31] =	ssyncset.done $0x0  }
0x4d: {  	[sflag:s31] =	ssyncadd.s32 $0xFFFFFFB0  }
0x4e: {  	[spmem:s3] =	stream.indirect.scatter.add.f32 [tilespmem:s21], [sflag:$0x2], $0x80, s2, s26, $0xb8;
	[tilespmem:$0x1E400] =	vst v63  }
0x4f: {  	_ =	swait.ge [sflag:s22], $0x2800  }
0x50: {  	[sflag:s22] =	ssyncset.done $0x0  }
0x51: {  	[sflag:s22] =	ssyncadd.s32 $0xFFFFD800  }
0x52: {  	[tilespmem:s25], [sflag:$0x3] =	stream.linear.gather [hbm4b:s19+s4], $0x50, $0x38;
	[tilespmem:$0x1E400] =	vst v63  }
0x53: {  	s16 =	simm.s32 $0x140  }
0x54: {  	[tilespmem:s29], [sflag:$0x1] =	stream.indirect.gather [hbm4b:s1+s26], $0x80, s16, s26, $0xb8;
	[tilespmem:$0x1E400] =	vst v63  }
0x55: {  	_ =	swait.ge [sflag:s30], $0x2800  }
0x56: {  	[sflag:s30] =	ssyncset.done $0x0  }
0x57: {  	[sflag:s30] =	ssyncadd.s32 $0xFFFFD800  }
0x58: {  	_ =	swait.ge [sflag:s31], $0x50  }
0x59: {  	[sflag:s31] =	ssyncset.done $0x0  }
0x5a: {  	[sflag:s31] =	ssyncadd.s32 $0xFFFFFFB0  }
0x5b: {  	[spmem:s3] =	stream.indirect.scatter.add.f32 [tilespmem:s28], [sflag:$0x2], $0x80, s24, s26, $0xb8;
	[tilespmem:$0x1E400] =	vst v63  }
0x5c: {  	s14 =	sadd.s32 $0x1E, s19;
	_ =	swait.ge [sflag:s22], $0x2800  }
0x5d: {  	s12 =	sadd.s32 $0xF0, s20;
	s13 =	sadd.s32 $0x1E, s18;
	[sflag:s22] =	ssyncset.done $0x0  }
0x5e: {  	s11 =	simm.s32 $0x3C0;
	s15 =	simm.s32 $0x190;
	[sflag:s22] =	ssyncadd.s32 $0xFFFFD800  }
0x5f: {  	[tilespmem:s2], [sflag:$0x3] =	stream.linear.gather [hbm4b:s18+s4], $0x50, $0x38;
	[tilespmem:$0x1E400] =	vst v63  }
.LBB2_2:
0x60: {  	[tilespmem:s21], [sflag:$0x1] =	stream.indirect.gather [hbm4b:s1+s26], $0x80, s15, s26, $0xb8;
	[tilespmem:$0x1E400] =	vst v63  }
0x61: {  	s15 =	smov.u32 s11  }
0x62: {  	p1 =	sne.s32 s11, $0x9240;
	s11 =	sadd.s32 $0x3C0, s11;
	_ =	swait.ge [sflag:s30], $0x2800  }
0x63: {  	[sflag:s30] =	ssyncset.done $0x0  }
0x64: {  	[sflag:s30] =	ssyncadd.s32 $0xFFFFD800  }
0x65: {  	_ =	swait.ge [sflag:s31], $0x50  }
0x66: {  	[sflag:s31] =	ssyncset.done $0x0  }
0x67: {  	[sflag:s31] =	ssyncadd.s32 $0xFFFFFFB0  }
0x68: {  	[spmem:s3] =	stream.indirect.scatter.add.f32 [tilespmem:s29], [sflag:$0x2], $0x80, s25, s26, $0xb8;
	[tilespmem:$0x1E400] =	vst v63  }
0x69: {  	_ =	swait.ge [sflag:s22], $0x2800  }
0x6a: {  	s16 =	sshrl.u32 s12, $0x3;
	[sflag:s22] =	ssyncset.done $0x0  }
0x6b: {  	s16 =	sadd.s32 s5, s16;
	s15 =	sshra.s32 s15, $0x2;
	[sflag:s22] =	ssyncadd.s32 $0xFFFFD800  }
0x6c: {  	[tilespmem:s24], [sflag:$0x3] =	stream.linear.gather [hbm4b:s16+s4], $0x50, $0x38;
	[tilespmem:$0x1E400] =	vst v63  }
0x6d: {  	s16 =	sadd.s32 $0xF0, s15  }
0x6e: {  	[tilespmem:s28], [sflag:$0x1] =	stream.indirect.gather [hbm4b:s1+s26], $0x80, s16, s26, $0xb8;
	[tilespmem:$0x1E400] =	vst v63  }
0x6f: {  	_ =	swait.ge [sflag:s30], $0x2800  }
0x70: {  	[sflag:s30] =	ssyncset.done $0x0  }
0x71: {  	[sflag:s30] =	ssyncadd.s32 $0xFFFFD800  }
0x72: {  	_ =	swait.ge [sflag:s31], $0x50  }
0x73: {  	[sflag:s31] =	ssyncset.done $0x0  }
0x74: {  	[sflag:s31] =	ssyncadd.s32 $0xFFFFFFB0  }
0x75: {  	[spmem:s3] =	stream.indirect.scatter.add.f32 [tilespmem:s21], [sflag:$0x2], $0x80, s2, s26, $0xb8;
	[tilespmem:$0x1E400] =	vst v63  }
0x76: {  	_ =	swait.ge [sflag:s22], $0x2800  }
0x77: {  	[sflag:s22] =	ssyncset.done $0x0  }
0x78: {  	[sflag:s22] =	ssyncadd.s32 $0xFFFFD800  }
0x79: {  	[tilespmem:s25], [sflag:$0x3] =	stream.linear.gather [hbm4b:s14+s4], $0x50, $0x38;
	[tilespmem:$0x1E400] =	vst v63  }
0x7a: {  	s16 =	sadd.s32 $0x140, s15  }
0x7b: {  	[tilespmem:s29], [sflag:$0x1] =	stream.indirect.gather [hbm4b:s1+s26], $0x80, s16, s26, $0xb8;
	[tilespmem:$0x1E400] =	vst v63  }
0x7c: {  	_ =	swait.ge [sflag:s30], $0x2800  }
0x7d: {  	[sflag:s30] =	ssyncset.done $0x0  }
0x7e: {  	[sflag:s30] =	ssyncadd.s32 $0xFFFFD800  }
0x7f: {  	_ =	swait.ge [sflag:s31], $0x50  }
0x80: {  	[sflag:s31] =	ssyncset.done $0x0  }
0x81: {  	[sflag:s31] =	ssyncadd.s32 $0xFFFFFFB0  }
0x82: {  	[spmem:s3] =	stream.indirect.scatter.add.f32 [tilespmem:s28], [sflag:$0x2], $0x80, s24, s26, $0xb8;
	[tilespmem:$0x1E400] =	vst v63  }
.Ltmp0:
0x83: {  	_ =	swait.ge [sflag:s22], $0x2800;
	(pc) =	sbr.rel @p1 .LBB2_2-.Ltmp0, $4  }
0x84: {  	[sflag:s22] =	ssyncset.done $0x0  }
0x85: {  	s12 =	sadd.s32 $0xF0, s12;
	[sflag:s22] =	ssyncadd.s32 $0xFFFFD800  }
0x86: {  	[tilespmem:s2], [sflag:$0x3] =	stream.linear.gather [hbm4b:s13+s4], $0x50, $0x38;
	[tilespmem:$0x1E400] =	vst v63  }
0x87: {  	s15 =	sadd.s32 $0x190, s15;
	s14 =	sadd.s32 $0x1E, s14;
	s13 =	sadd.s32 $0x1E, s13  }
0x88: {  	[tilespmem:s21], [sflag:$0x1] =	stream.indirect.gather [hbm4b:s1+s26], $0x80, s15, s26, $0xb8;
	[tilespmem:$0x1E400] =	vst v63  }
0x89: {  	_ =	swait.ge [sflag:s30], $0x2800  }
0x8a: {  	[sflag:s30] =	ssyncset.done $0x0  }
0x8b: {  	[sflag:s30] =	ssyncadd.s32 $0xFFFFD800  }
0x8c: {  	_ =	swait.ge [sflag:s31], $0x50  }
0x8d: {  	[sflag:s31] =	ssyncset.done $0x0  }
0x8e: {  	[sflag:s31] =	ssyncadd.s32 $0xFFFFFFB0  }
0x8f: {  	[spmem:s3] =	stream.indirect.scatter.add.f32 [tilespmem:s29], [sflag:$0x2], $0x80, s25, s26, $0xb8;
	[tilespmem:$0x1E400] =	vst v63  }
0x90: {  	_ =	swait.ge [sflag:s22], $0x2800  }
0x91: {  	[sflag:s22] =	ssyncset.done $0x0  }
0x92: {  	s11 =	rddreg [dreg:$0xc];
	[sflag:s22] =	ssyncadd.s32 $0xFFFFD800  }
0x93: {  	[tilespmem:s24], [sflag:$0x3] =	stream.linear.gather [hbm4b:s11+s4], $0x50, $0x38;
	[tilespmem:$0x1E400] =	vst v63  }
0x94: {  	s13 =	simm.s32 $0x2670  }
0x95: {  	[tilespmem:s28], [sflag:$0x1] =	stream.indirect.gather [hbm4b:s1+s26], $0x80, s13, s26, $0xb8;
	[tilespmem:$0x1E400] =	vst v63  }
0x96: {  	_ =	swait.ge [sflag:s30], $0x2800  }
0x97: {  	[sflag:s30] =	ssyncset.done $0x0  }
0x98: {  	[sflag:s30] =	ssyncadd.s32 $0xFFFFD800  }
0x99: {  	_ =	swait.ge [sflag:s31], $0x50  }
0x9a: {  	[sflag:s31] =	ssyncset.done $0x0  }
0x9b: {  	[sflag:s31] =	ssyncadd.s32 $0xFFFFFFB0  }
0x9c: {  	[spmem:s3] =	stream.indirect.scatter.add.f32 [tilespmem:s21], [sflag:$0x2], $0x80, s2, s26, $0xb8;
	[tilespmem:$0x1E400] =	vst v63  }
0x9d: {  	_ =	swait.ge [sflag:s22], $0x2800  }
0x9e: {  	[sflag:s22] =	ssyncset.done $0x0  }
0x9f: {  	[sflag:s22] =	ssyncadd.s32 $0xFFFFD800  }
0xa0: {  	[tilespmem:s25], [sflag:$0x3] =	stream.linear.gather [hbm4b:s17+s4], $0x50, $0x38;
	[tilespmem:$0x1E400] =	vst v63  }
0xa1: {  	s14 =	simm.s32 $0x26C0  }
0xa2: {  	[tilespmem:s29], [sflag:$0x1] =	stream.indirect.gather [hbm4b:s1+s26], $0x80, s14, s26, $0xb8;
	[tilespmem:$0x1E400] =	vst v63  }
0xa3: {  	_ =	swait.ge [sflag:s30], $0x2800  }
0xa4: {  	[sflag:s30] =	ssyncset.done $0x0  }
0xa5: {  	[sflag:s30] =	ssyncadd.s32 $0xFFFFD800  }
0xa6: {  	_ =	swait.ge [sflag:s31], $0x50  }
0xa7: {  	[sflag:s31] =	ssyncset.done $0x0  }
0xa8: {  	[sflag:s31] =	ssyncadd.s32 $0xFFFFFFB0  }
0xa9: {  	[spmem:s3] =	stream.indirect.scatter.add.f32 [tilespmem:s28], [sflag:$0x2], $0x80, s24, s26, $0xb8;
	[tilespmem:$0x1E400] =	vst v63  }
0xaa: {  	_ =	swait.ge [sflag:s22], $0x2800  }
0xab: {  	[sflag:s22] =	ssyncset.done $0x0  }
0xac: {  	[sflag:s22] =	ssyncadd.s32 $0xFFFFD800  }
0xad: {  	_ =	swait.ge [sflag:s30], $0x2800  }
0xae: {  	[sflag:s30] =	ssyncset.done $0x0  }
0xaf: {  	[sflag:s30] =	ssyncadd.s32 $0xFFFFD800  }
0xb0: {  	_ =	swait.ge [sflag:s31], $0x50  }
0xb1: {  	[sflag:s31] =	ssyncset.done $0x0  }
0xb2: {  	[sflag:s31] =	ssyncadd.s32 $0xFFFFFFB0  }
0xb3: {  	[spmem:s3] =	stream.indirect.scatter.add.f32 [tilespmem:s29], [sflag:$0x2], $0x80, s25, s26, $0xb8;
	[tilespmem:$0x1E400] =	vst v63  }
0xb4: {  	_ =	swait.ge [sflag:s22], $0x2800  }
0xb5: {  	[sflag:s22] =	ssyncset.done $0x0  }
0xb6: {  	[sflag:s22] =	ssyncadd.s32 $0xFFFFD800  }
0xb7: {  	_ =	swait.ge [sflag:s22], $0x2800  }
0xb8: {  	[sflag:s22] =	ssyncset.done $0x0  }
0xb9: {  	[sflag:s22] =	ssyncadd.s32 $0xFFFFD800  }
0xba: {  	[bflag:$0x0] =	sbarrier.arrive $0xFFFF  }
0xbb: {  	s15 =	rddreg [dreg:$0x9]  }
0xbc: {  	[hbm:s15], [sflag:s8] =	dma.local [spmem:s9], $0x2700  }
0xbd: {  	_ =	swait.ge [sflag:s23], $0x2700  }
0xbe: {  	[sflag:s23] =	ssyncset.done $0x0  }
0xbf: {  	s9 =	rddreg [dreg:$0xa];
	[sflag:s23] =	ssyncadd.s32 $0xFFFFD900  }
0xc0: {  	[hbm:s9], [sflag:s8] =	dma.local @!p0 [spmem:s10], $0x100  }
0xc1: {  	s8 =	simm.s32 @!p0 $0x4  }
0xc2: {  	_ =	swait.ge @!p0 [sflag:s8], $0x100  }
0xc3: {  	s0 =	sadd.s32 $0x1, s0;
	s16 =	rddreg [dreg:$0xb]  }
0xc4: {  	p1 =	sne.s32 s0, s16  }
.Ltmp1:
0xc5: {  	_ = 	snop;
	(pc) =	sbr.rel @p1 .LBB2_1-.Ltmp1, $3  }
0xc6: {  	_ =	sdelay $0x1  }
0xc7: {  	[sflag:s8] =	ssyncset.done @!p0 $0x0  }
0xc8: {  	[sflag:s8] =	ssyncadd.s32 @!p0 $0xFFFFFF00  }
0xc9: {  	_ =	sfence.sel $0x180000  }
0xca: {  	[bflag:$0x0] =	sbarrier.arrive $0xFFFF  }
0xcb: {  	_ =	strace $0x9000004A  }
0xcc: {  	s0 =	stileid.u32;
	[bflag:$0x2] =	sbarrier.arrive $0xFFFF  }
0xcd: {  	p0 =	sne.s32 s0, $0x0;
	s0 =	rddreg [dreg:$0x3]  }
0xce: {  	s0 =	sadd.s32 @!p0 $0x100000, s0  }
0xcf: {  	[sflag:s0] =	ssyncadd.tile.s32 @!p0 $0x1;
	_ =	shalt  }
.Lfunc_end2:
_tile_overlayer_lowered:
.L_overlay_start_2:
0xd0: {  	(tag) =	ssettag $0x2  }
0xd1: {  	s0 =	rddreg [dreg:$0x0];
	s2 =	stileid.u32  }
0xd2: {  	s1 =	rddreg [dreg:$0x1];
	p0 =	sne.s32 s2, $0x0  }
0xd3: {  	s3 =	rddreg [dreg:$0x2];
	[bflag:$0x3] =	sbarrier.arrive $0xFFFF;
	s2 =	simm.s32 @!p0 $0x1C04  }
0xd4: {  	[timem:s3], [sflag:s2] =	dma.local @!p0 [hbm:s0], s1  }
0xd5: {  	s0 =	simm.s32 @!p0 $0x4  }
0xd6: {  	_ =	swait.ge @!p0 [sflag:s0], s1  }
0xd7: {  	s1 =	ssub.s32 @!p0 $0x0, s1;
	[sflag:s0] =	ssyncset.done @!p0 $0x0  }
0xd8: {  	[sflag:s0] =	ssyncadd.s32 @!p0 s1  }
0xd9: {  	[bflag:$0x3] =	sbarrier.arrive $0xFFFF  }
0xda: {  	_ =	shalt  }

</sc_bundles>
